<compile_context>
chip_gen: v7x
topology: tpu7x:2x2x1
jax: 0.10.2.dev20260603
libtpu: 0.0.44.dev20260713+nightly
codegen_flags: <defaults>
</compile_context>

<pallas_src>
import jax
import jax.numpy as jnp
from jax import lax
from jax.experimental import pallas as pl
from jax.experimental.pallas import tpu as pltpu
from jax.experimental.pallas import tpu_sc as plsc

V = 1000000
D = 64
B = 16384
L = 20
N = B * L

NC = 2
NS = 16
NW = NC * NS

CB = 128
N_PER_W = N // NW
GCHUNKS = N_PER_W // CB

KB = 1250
V_PER_W = V // NW
KCHUNKS = V_PER_W // KB


def _repack_body(w_hbm, out_hbm, in_v, out_v, sem_i, sem_o):
  wid = lax.axis_index("s") * NC + lax.axis_index("c")
  base = wid * V_PER_W
  pltpu.async_copy(w_hbm.at[pl.ds(base, KB)], in_v.at[0], sem_i)

  def chunk(ci, _):
    slot = ci % 2
    r0 = base + ci * KB
    pltpu.make_async_copy(w_hbm.at[pl.ds(r0, KB)], in_v.at[slot],
                          sem_i).wait()

    @pl.when(ci + 1 < KCHUNKS)
    def _prefetch():
      pltpu.async_copy(w_hbm.at[pl.ds(r0 + KB, KB)], in_v.at[1 - slot],
                       sem_i)

    @pl.when(ci >= 1)
    def _drain():
      pltpu.make_async_copy(out_v.at[1 - slot],
                            out_hbm.at[pl.ds(r0 - KB, KB)], sem_o).wait()

    def row(q, _):
      for j in range(2):
        r = 2 * q + j
        out_v[slot, r] = plsc.bitcast(in_v[slot, r], jnp.int32)
      return 0

    lax.fori_loop(0, KB // 2, row, 0)
    pltpu.async_copy(out_v.at[slot], out_hbm.at[pl.ds(r0, KB)], sem_o)
    return 0

  lax.fori_loop(0, KCHUNKS, chunk, 0)
  pltpu.make_async_copy(out_v.at[(KCHUNKS - 1) % 2],
                        out_hbm.at[pl.ds(base + (KCHUNKS - 1) * KB, KB)],
                        sem_o).wait()


def _issue_gathers(idx_hbm, w_hbm, s_hbm, m_hbm, idx_v, rows_v, s_v, m_v,
                   slot, base, sem_i, sem_g):
  pltpu.make_async_copy(idx_hbm.at[pl.ds(base, CB)], idx_v.at[slot],
                        sem_i).wait()
  pltpu.async_copy(w_hbm.at[idx_v.at[slot]], rows_v.at[slot], sem_g)
  pltpu.async_copy(s_hbm.at[idx_v.at[slot]], s_v.at[slot], sem_g)
  pltpu.async_copy(m_hbm.at[idx_v.at[slot]], m_v.at[slot], sem_g)


def _gather_body(idx_hbm, w_hbm, s_hbm, m_hbm, out_hbm, idx_v, rows_v, s_v,
                 m_v, stage_v, obuf_v, sem_i, sem_g, sem_o):
  wid = lax.axis_index("s") * NC + lax.axis_index("c")
  lanes = lax.iota(jnp.int32, 16)
  zeros16 = jnp.full((16,), 0, jnp.int32)
  wbase = wid * N_PER_W

  pltpu.async_copy(idx_hbm.at[pl.ds(wbase, CB)], idx_v.at[0], sem_i)
  _issue_gathers(idx_hbm, w_hbm, s_hbm, m_hbm, idx_v, rows_v, s_v, m_v, 0,
                 wbase, sem_i, sem_g)

  def chunk_body(ci, _):
    slot = ci % 2
    base = wbase + ci * CB

    pltpu.make_async_copy(w_hbm.at[idx_v.at[slot]], rows_v.at[slot],
                          sem_g).wait()
    pltpu.make_async_copy(s_hbm.at[idx_v.at[slot]], s_v.at[slot],
                          sem_g).wait()
    pltpu.make_async_copy(m_hbm.at[idx_v.at[slot]], m_v.at[slot],
                          sem_g).wait()

    @pl.when(ci + 1 < GCHUNKS)
    def _prefetch():
      nbase = base + CB
      pltpu.async_copy(idx_hbm.at[pl.ds(nbase, CB)], idx_v.at[1 - slot],
                       sem_i)
      _issue_gathers(idx_hbm, w_hbm, s_hbm, m_hbm, idx_v, rows_v, s_v, m_v,
                     1 - slot, nbase, sem_i, sem_g)

    @pl.when(ci >= 1)
    def _drain():
      pltpu.make_async_copy(obuf_v.at[1 - slot],
                            out_hbm.at[pl.ds(base - CB, CB)], sem_o).wait()

    def row_body(r, _):
      w32 = rows_v[slot, r]
      rsplat = zeros16 + r
      sv = plsc.load_gather(s_v.at[slot], [rsplat])
      mv = plsc.load_gather(m_v.at[slot], [rsplat])
      o0 = sv * (((w32 << 24) >> 24).astype(jnp.float32) + mv)
      o1 = sv * (((w32 << 16) >> 24).astype(jnp.float32) + mv)
      o2 = sv * (((w32 << 8) >> 24).astype(jnp.float32) + mv)
      o3 = sv * ((w32 >> 24).astype(jnp.float32) + mv)
      p01 = plsc.bitcast(
          plsc.pack(o0, o1, format=plsc.PackFormat.INTERLEAVED), jnp.int32)
      p23 = plsc.bitcast(
          plsc.pack(o2, o3, format=plsc.PackFormat.INTERLEAVED), jnp.int32)
      sbase = r * (D // 2) + 2 * lanes
      plsc.store_scatter(stage_v, [sbase], p01)
      plsc.store_scatter(stage_v, [sbase + 1], p23)
      return 0

    lax.fori_loop(0, CB, row_body, 0)

    def reorder_body(t, _):
      for j in range(2):
        r = 2 * t + j
        off = pl.multiple_of(r * (D // 2), 32)
        obuf_v[slot, r, pl.ds(0, 32)] = plsc.bitcast(
            stage_v[pl.ds(off, 16)], jnp.bfloat16)
        obuf_v[slot, r, pl.ds(32, 32)] = plsc.bitcast(
            stage_v[pl.ds(off + 16, 16)], jnp.bfloat16)
      return 0

    lax.fori_loop(0, CB // 2, reorder_body, 0)
    pltpu.async_copy(obuf_v.at[slot], out_hbm.at[pl.ds(base, CB)], sem_o)
    return 0

  lax.fori_loop(0, GCHUNKS, chunk_body, 0)
  pltpu.make_async_copy(obuf_v.at[(GCHUNKS - 1) % 2],
                        out_hbm.at[pl.ds(wbase + (GCHUNKS - 1) * CB, CB)],
                        sem_o).wait()


@jax.jit
def kernel(idx, weight, scales, means):
  mesh = plsc.VectorSubcoreMesh(core_axis_name="c", subcore_axis_name="s")
  params = pltpu.CompilerParams(
      needs_layout_passes=False, use_tc_tiling_on_sc=False)
  repack = pl.kernel(
      _repack_body,
      out_type=jax.ShapeDtypeStruct((V, D // 4), jnp.int32),
      mesh=mesh,
      compiler_params=params,
      scratch_types=[
          pltpu.VMEM((2, KB, D), jnp.int8),
          pltpu.VMEM((2, KB, D // 4), jnp.int32),
          pltpu.SemaphoreType.DMA,
          pltpu.SemaphoreType.DMA,
      ],
  )
  gather = pl.kernel(
      _gather_body,
      out_type=jax.ShapeDtypeStruct((N, D), jnp.bfloat16),
      mesh=mesh,
      compiler_params=params,
      scratch_types=[
          pltpu.VMEM((2, CB), jnp.int32),
          pltpu.VMEM((2, CB, D // 4), jnp.int32),
          pltpu.VMEM((2, CB), jnp.float32),
          pltpu.VMEM((2, CB), jnp.float32),
          pltpu.VMEM((CB * D // 2,), jnp.int32),
          pltpu.VMEM((2, CB, D), jnp.bfloat16),
          pltpu.SemaphoreType.DMA,
          pltpu.SemaphoreType.DMA,
          pltpu.SemaphoreType.DMA,
      ],
  )
  w32 = repack(weight)
  out = gather(idx.reshape(N), w32, scales.reshape(V), means.reshape(V))
  return out.reshape(B, L, D)

# --- scband reference (transcript-rebuilt; emitter-appended) ---
"""Pipeline reference for scband-quant-embedding-13099650253517 (READ-ONLY COPY).

The authoritative reference and input builder live on the scoring server;
editing this copy changes nothing except your own understanding.
"""

import jax, jax.numpy as jnp
import numpy as np

V = 1000000
D = 64
B = 16384
L = 20


def setup_inputs(seed: int = 0) -> dict:
    key = jax.random.key(seed)
    k1, k2 = jax.random.split(key)
    # Original full-precision embedding table, quantized exactly as QuantEmbedding.__init__ does
    orig = jax.random.normal(k1, (V, D), dtype=jnp.float32)
    mins = jnp.min(orig, axis=1, keepdims=True)
    maxs = jnp.max(orig, axis=1, keepdims=True)
    scales = (maxs - mins) / 255.0
    scales = jnp.where(scales == 0, 1e-08, scales)
    means = jnp.mean(orig, axis=1, keepdims=True)
    weight = jnp.clip(jnp.round((orig - means) / scales), -128, 127).astype(jnp.int8)
    idx = jax.random.randint(k2, (B, L), 0, V, dtype=jnp.int32)
    return {"idx": idx, "weight": weight, "scales": scales, "means": means}


def reference(idx, weight, scales, means):
    # quantized_emb = self.weight[idx].float()
    quantized_emb = jnp.take(weight, idx, axis=0).astype(jnp.float32)
    # (self.scales[idx] * (quantized_emb + self.means[idx])).bfloat16()
    s = jnp.take(scales, idx, axis=0)  # [B, L, 1]
    m = jnp.take(means, idx, axis=0)   # [B, L, 1]
    return (s * (quantized_emb + m)).astype(jnp.bfloat16)

if __name__ == "__main__":
    import jax
    _d = setup_inputs()
    print(jax.jit(kernel)(*tuple(_d.values())))

</pallas_src>

<mosaic_0001>
#map = affine_map<(d0, d1) -> (0, 0)>
module attributes {stable_mosaic.version = 14 : i64} {
  func.func @_repack_body(%arg0: i32, %arg1: i32, %arg2: memref<1000000x64xi8, #tpu.memory_space<hbm>>, %arg3: memref<1000000x16xi32, #tpu.memory_space<hbm>>, %arg4: memref<2x1250x64xi8, #tpu.memory_space<vmem>>, %arg5: memref<2x1250x16xi32, #tpu.memory_space<vmem>>, %arg6: memref<!tpu.dma_semaphore, #tpu.memory_space<semaphore_mem>>, %arg7: memref<!tpu.dma_semaphore, #tpu.memory_space<semaphore_mem>>) attributes {dimension_semantics = [#tpu.dimension_semantics<core_parallel>, #tpu.dimension_semantics<subcore_parallel>], iteration_bounds = array<i64: 2, 16>, scalar_prefetch = 0 : i64, scratch_operands = 4 : i64, tpu.core_type = #tpu.core_type<sc_vector_subcore>, window_params = [{transform_indices = #map}, {transform_indices = #map}]} {
    %mul3A = arith.constant 2 : i32
    %mul3A_0 = arith.muli %arg1, %mul3A : i32
    %add3A = arith.addi %mul3A_0, %arg0 : i32
    %mul3A_1 = arith.constant 31250 : i32
    %mul3A_2 = arith.muli %add3A, %mul3A_1 : i32
    %dma_start3A = arith.constant 0 : i32
    %dma_start3A_3 = arith.constant 0 : i32
    %dma_start3A_4 = arith.constant 0 : i32
    %dma_start3A_5 = tpu.memref_slice %arg4[%dma_start3A, %dma_start3A_3, %dma_start3A_4] : memref<2x1250x64xi8, #tpu.memory_space<vmem>> -> memref<1x1250x64xi8, #tpu.memory_space<vmem>>
    %dma_start3A_6 = tpu.memref_squeeze %dma_start3A_5 : memref<1x1250x64xi8, #tpu.memory_space<vmem>> -> memref<1250x64xi8, #tpu.memory_space<vmem>>
    %dma_start3A_7 = arith.constant 0 : i32
    %dma_start3A_8 = tpu.memref_slice %arg2[%mul3A_2, %dma_start3A_7] : memref<1000000x64xi8, #tpu.memory_space<hbm>> -> memref<1250x64xi8, #tpu.memory_space<hbm>>
    %dma_start3A_9 = arith.constant 0 : i32
    %dma_start3A_10 = arith.constant 0 : i32
    %dma_start3A_11 = tpu.memref_slice %arg4[%dma_start3A, %dma_start3A_9, %dma_start3A_10] : memref<2x1250x64xi8, #tpu.memory_space<vmem>> -> memref<1x1250x64xi8, #tpu.memory_space<vmem>>
    %dma_start3A_12 = tpu.memref_squeeze %dma_start3A_11 : memref<1x1250x64xi8, #tpu.memory_space<vmem>> -> memref<1250x64xi8, #tpu.memory_space<vmem>>
    %dma_start3A_13 = arith.constant 0 : i32
    %dma_start3A_14 = tpu.memref_slice %arg2[%mul3A_2, %dma_start3A_13] : memref<1000000x64xi8, #tpu.memory_space<hbm>> -> memref<1250x64xi8, #tpu.memory_space<hbm>>
    tpu.enqueue_dma source(%dma_start3A_14 : memref<1250x64xi8, #tpu.memory_space<hbm>>) target(%dma_start3A_12 : memref<1250x64xi8, #tpu.memory_space<vmem>>) target_semaphore(%arg6 : memref<!tpu.dma_semaphore, #tpu.memory_space<semaphore_mem>>)
    %scan3A = arith.constant 0 : i32
    %scan3A_15 = arith.constant 0 : i32
    %scan3A_16 = arith.constant 25 : i32
    %scan3A_17 = arith.addi %scan3A_15, %scan3A_16 : i32
    %scan3A_18 = arith.constant 1 : i32
    %scan3A_19 = scf.for %scan3A_35 = %scan3A_15 to %scan3A_17 step %scan3A_18 iter_args(%scan3A_36 = %scan3A) -> (i32)  : i32 {
      %jit3A = arith.constant 2 : i32
      %eq3A = arith.constant 0 : i32
      %eq3A_37 = arith.cmpi eq, %jit3A, %eq3A : i32
      %jit3A_38 = arith.constant 1 : i32
      %select_n3A = arith.select %eq3A_37, %jit3A_38, %jit3A : i32
      %rem3A = arith.remsi %scan3A_35, %select_n3A : i32
      %ne3A = arith.constant 0 : i32
      %ne3A_39 = arith.cmpi ne, %rem3A, %ne3A : i32
      %lt3A = arith.constant 0 : i32
      %lt3A_40 = arith.cmpi slt, %rem3A, %lt3A : i32
      %lt3A_41 = arith.constant 0 : i32
      %lt3A_42 = arith.cmpi slt, %select_n3A, %lt3A_41 : i32
      %ne3A_43 = arith.xori %lt3A_40, %lt3A_42 : i1
      %and3A = arith.andi %ne3A_43, %ne3A_39 : i1
      %add3A_44 = arith.addi %rem3A, %select_n3A : i32
      %select_n3A_45 = arith.select %and3A, %add3A_44, %rem3A : i32
      %mul3A_46 = arith.constant 1250 : i32
      %mul3A_47 = arith.muli %scan3A_35, %mul3A_46 : i32
      %add3A_48 = arith.addi %mul3A_2, %mul3A_47 : i32
      %dma_wait3A_49 = arith.constant 0 : i32
      %dma_wait3A_50 = arith.constant 0 : i32
      %dma_wait3A_51 = tpu.memref_slice %arg4[%select_n3A_45, %dma_wait3A_49, %dma_wait3A_50] : memref<2x1250x64xi8, #tpu.memory_space<vmem>> -> memref<1x1250x64xi8, #tpu.memory_space<vmem>>
      %dma_wait3A_52 = tpu.memref_squeeze %dma_wait3A_51 : memref<1x1250x64xi8, #tpu.memory_space<vmem>> -> memref<1250x64xi8, #tpu.memory_space<vmem>>
      %dma_wait3A_53 = arith.constant 0 : i32
      %dma_wait3A_54 = tpu.memref_slice %arg2[%add3A_48, %dma_wait3A_53] : memref<1000000x64xi8, #tpu.memory_space<hbm>> -> memref<1250x64xi8, #tpu.memory_space<hbm>>
      %dma_wait3A_55 = arith.constant 0 : i32
      %dma_wait3A_56 = arith.constant 0 : i32
      %dma_wait3A_57 = tpu.memref_slice %arg4[%select_n3A_45, %dma_wait3A_55, %dma_wait3A_56] : memref<2x1250x64xi8, #tpu.memory_space<vmem>> -> memref<1x1250x64xi8, #tpu.memory_space<vmem>>
      %dma_wait3A_58 = tpu.memref_squeeze %dma_wait3A_57 : memref<1x1250x64xi8, #tpu.memory_space<vmem>> -> memref<1250x64xi8, #tpu.memory_space<vmem>>
      %dma_wait3A_59 = arith.constant 0 : i32
      %dma_wait3A_60 = tpu.memref_slice %arg2[%add3A_48, %dma_wait3A_59] : memref<1000000x64xi8, #tpu.memory_space<hbm>> -> memref<1250x64xi8, #tpu.memory_space<hbm>>
      tpu.wait_dma2 semaphore(%arg6 : memref<!tpu.dma_semaphore, #tpu.memory_space<semaphore_mem>>) src(%dma_wait3A_60 : memref<1250x64xi8, #tpu.memory_space<hbm>>) dst(%dma_wait3A_58 : memref<1250x64xi8, #tpu.memory_space<vmem>>)
      %add3A_61 = arith.constant 1 : i32
      %add3A_62 = arith.addi %scan3A_35, %add3A_61 : i32
      %lt3A_63 = arith.constant 25 : i32
      %lt3A_64 = arith.cmpi slt, %add3A_62, %lt3A_63 : i32
      %convert_element_type3A = arith.extui %lt3A_64 : i1 to i32
      %cond3A = arith.constant 0 : i32
      %cond3A_65 = arith.cmpi ne, %convert_element_type3A, %cond3A : i32
      scf.if %cond3A_65 {
        %add3A_90 = arith.constant 1250 : i32
        %add3A_91 = arith.addi %add3A_48, %add3A_90 : i32
        %sub3A = arith.constant 1 : i32
        %sub3A_92 = arith.subi %sub3A, %select_n3A_45 : i32
        %dma_start3A_93 = arith.constant 0 : i32
        %dma_start3A_94 = arith.constant 0 : i32
        %dma_start3A_95 = tpu.memref_slice %arg4[%sub3A_92, %dma_start3A_93, %dma_start3A_94] : memref<2x1250x64xi8, #tpu.memory_space<vmem>> -> memref<1x1250x64xi8, #tpu.memory_space<vmem>>
        %dma_start3A_96 = tpu.memref_squeeze %dma_start3A_95 : memref<1x1250x64xi8, #tpu.memory_space<vmem>> -> memref<1250x64xi8, #tpu.memory_space<vmem>>
        %dma_start3A_97 = arith.constant 0 : i32
        %dma_start3A_98 = tpu.memref_slice %arg2[%add3A_91, %dma_start3A_97] : memref<1000000x64xi8, #tpu.memory_space<hbm>> -> memref<1250x64xi8, #tpu.memory_space<hbm>>
        %dma_start3A_99 = arith.constant 0 : i32
        %dma_start3A_100 = arith.constant 0 : i32
        %dma_start3A_101 = tpu.memref_slice %arg4[%sub3A_92, %dma_start3A_99, %dma_start3A_100] : memref<2x1250x64xi8, #tpu.memory_space<vmem>> -> memref<1x1250x64xi8, #tpu.memory_space<vmem>>
        %dma_start3A_102 = tpu.memref_squeeze %dma_start3A_101 : memref<1x1250x64xi8, #tpu.memory_space<vmem>> -> memref<1250x64xi8, #tpu.memory_space<vmem>>
        %dma_start3A_103 = arith.constant 0 : i32
        %dma_start3A_104 = tpu.memref_slice %arg2[%add3A_91, %dma_start3A_103] : memref<1000000x64xi8, #tpu.memory_space<hbm>> -> memref<1250x64xi8, #tpu.memory_space<hbm>>
        tpu.enqueue_dma source(%dma_start3A_104 : memref<1250x64xi8, #tpu.memory_space<hbm>>) target(%dma_start3A_102 : memref<1250x64xi8, #tpu.memory_space<vmem>>) target_semaphore(%arg6 : memref<!tpu.dma_semaphore, #tpu.memory_space<semaphore_mem>>)
      } else {
      }
      %ge3A = arith.constant 1 : i32
      %ge3A_66 = arith.cmpi sge, %scan3A_35, %ge3A : i32
      %convert_element_type3A_67 = arith.extui %ge3A_66 : i1 to i32
      %cond3A_68 = arith.constant 0 : i32
      %cond3A_69 = arith.cmpi ne, %convert_element_type3A_67, %cond3A_68 : i32
      scf.if %cond3A_69 {
        %sub3A = arith.constant 1 : i32
        %sub3A_90 = arith.subi %sub3A, %select_n3A_45 : i32
        %sub3A_91 = arith.constant 1250 : i32
        %sub3A_92 = arith.subi %add3A_48, %sub3A_91 : i32
        %dma_wait3A_93 = arith.constant 0 : i32
        %dma_wait3A_94 = arith.constant 0 : i32
        %dma_wait3A_95 = tpu.memref_slice %arg5[%sub3A_90, %dma_wait3A_93, %dma_wait3A_94] : memref<2x1250x16xi32, #tpu.memory_space<vmem>> -> memref<1x1250x16xi32, #tpu.memory_space<vmem>>
        %dma_wait3A_96 = tpu.memref_squeeze %dma_wait3A_95 : memref<1x1250x16xi32, #tpu.memory_space<vmem>> -> memref<1250x16xi32, #tpu.memory_space<vmem>>
        %dma_wait3A_97 = arith.constant 0 : i32
        %dma_wait3A_98 = tpu.memref_slice %arg3[%sub3A_92, %dma_wait3A_97] : memref<1000000x16xi32, #tpu.memory_space<hbm>> -> memref<1250x16xi32, #tpu.memory_space<hbm>>
        %dma_wait3A_99 = arith.constant 0 : i32
        %dma_wait3A_100 = tpu.memref_slice %arg3[%sub3A_92, %dma_wait3A_99] : memref<1000000x16xi32, #tpu.memory_space<hbm>> -> memref<1250x16xi32, #tpu.memory_space<hbm>>
        %dma_wait3A_101 = arith.constant 0 : i32
        %dma_wait3A_102 = arith.constant 0 : i32
        %dma_wait3A_103 = tpu.memref_slice %arg5[%sub3A_90, %dma_wait3A_101, %dma_wait3A_102] : memref<2x1250x16xi32, #tpu.memory_space<vmem>> -> memref<1x1250x16xi32, #tpu.memory_space<vmem>>
        %dma_wait3A_104 = tpu.memref_squeeze %dma_wait3A_103 : memref<1x1250x16xi32, #tpu.memory_space<vmem>> -> memref<1250x16xi32, #tpu.memory_space<vmem>>
        tpu.wait_dma2 semaphore(%arg7 : memref<!tpu.dma_semaphore, #tpu.memory_space<semaphore_mem>>) src(%dma_wait3A_104 : memref<1250x16xi32, #tpu.memory_space<vmem>>) dst(%dma_wait3A_100 : memref<1250x16xi32, #tpu.memory_space<hbm>>)
      } else {
      }
      %scan3A_70 = arith.constant 0 : i32
      %scan3A_71 = arith.constant 0 : i32
      %scan3A_72 = arith.constant 625 : i32
      %scan3A_73 = arith.addi %scan3A_71, %scan3A_72 : i32
      %scan3A_74 = arith.constant 1 : i32
      %scan3A_75 = scf.for %scan3A_90 = %scan3A_71 to %scan3A_73 step %scan3A_74 iter_args(%scan3A_91 = %scan3A_70) -> (i32)  : i32 {
        %mul3A_92 = arith.constant 2 : i32
        %mul3A_93 = arith.muli %mul3A_92, %scan3A_90 : i32
        %add3A_94 = arith.constant 0 : i32
        %add3A_95 = arith.addi %mul3A_93, %add3A_94 : i32
        %get3A = arith.index_cast %select_n3A_45 : i32 to index
        %get3A_96 = arith.index_cast %add3A_95 : i32 to index
        %get3A_97 = arith.constant 0 : index
        %get3A_98 = tpu.vector_load %arg4[%get3A, %get3A_96, %get3A_97] {strides = array<i32>} : memref<2x1250x64xi8, #tpu.memory_space<vmem>>, vector<64xi8>,
        %bitcast3A = vector.bitcast %get3A_98 : vector<64xi8> to vector<16xi32>
        %swap3A = arith.index_cast %select_n3A_45 : i32 to index
        %swap3A_99 = arith.index_cast %add3A_95 : i32 to index
        %swap3A_100 = arith.constant 0 : index
        %swap3A_101 = tpu.vector_load %arg5[%swap3A, %swap3A_99, %swap3A_100] {strides = array<i32>} : memref<2x1250x16xi32, #tpu.memory_space<vmem>>, vector<16xi32>,
        tpu.vector_store %arg5[%swap3A, %swap3A_99, %swap3A_100], %bitcast3A {strides = array<i32>} : memref<2x1250x16xi32, #tpu.memory_space<vmem>>, vector<16xi32>,
        %mul3A_102 = arith.constant 2 : i32
        %mul3A_103 = arith.muli %mul3A_102, %scan3A_90 : i32
        %add3A_104 = arith.constant 1 : i32
        %add3A_105 = arith.addi %mul3A_103, %add3A_104 : i32
        %get3A_106 = arith.index_cast %select_n3A_45 : i32 to index
        %get3A_107 = arith.index_cast %add3A_105 : i32 to index
        %get3A_108 = arith.constant 0 : index
        %get3A_109 = tpu.vector_load %arg4[%get3A_106, %get3A_107, %get3A_108] {strides = array<i32>} : memref<2x1250x64xi8, #tpu.memory_space<vmem>>, vector<64xi8>,
        %bitcast3A_110 = vector.bitcast %get3A_109 : vector<64xi8> to vector<16xi32>
        %swap3A_111 = arith.index_cast %select_n3A_45 : i32 to index
        %swap3A_112 = arith.index_cast %add3A_105 : i32 to index
        %swap3A_113 = arith.constant 0 : index
        %swap3A_114 = tpu.vector_load %arg5[%swap3A_111, %swap3A_112, %swap3A_113] {strides = array<i32>} : memref<2x1250x16xi32, #tpu.memory_space<vmem>>, vector<16xi32>,
        tpu.vector_store %arg5[%swap3A_111, %swap3A_112, %swap3A_113], %bitcast3A_110 {strides = array<i32>} : memref<2x1250x16xi32, #tpu.memory_space<vmem>>, vector<16xi32>,
        %scan3A_115 = arith.constant 0 : i32
        scf.yield %scan3A_115 : i32
      }
      %scan3A_76 = arith.constant 625 : i32
      %dma_start3A_77 = arith.constant 0 : i32
      %dma_start3A_78 = arith.constant 0 : i32
      %dma_start3A_79 = tpu.memref_slice %arg5[%select_n3A_45, %dma_start3A_77, %dma_start3A_78] : memref<2x1250x16xi32, #tpu.memory_space<vmem>> -> memref<1x1250x16xi32, #tpu.memory_space<vmem>>
      %dma_start3A_80 = tpu.memref_squeeze %dma_start3A_79 : memref<1x1250x16xi32, #tpu.memory_space<vmem>> -> memref<1250x16xi32, #tpu.memory_space<vmem>>
      %dma_start3A_81 = arith.constant 0 : i32
      %dma_start3A_82 = tpu.memref_slice %arg3[%add3A_48, %dma_start3A_81] : memref<1000000x16xi32, #tpu.memory_space<hbm>> -> memref<1250x16xi32, #tpu.memory_space<hbm>>
      %dma_start3A_83 = arith.constant 0 : i32
      %dma_start3A_84 = tpu.memref_slice %arg3[%add3A_48, %dma_start3A_83] : memref<1000000x16xi32, #tpu.memory_space<hbm>> -> memref<1250x16xi32, #tpu.memory_space<hbm>>
      %dma_start3A_85 = arith.constant 0 : i32
      %dma_start3A_86 = arith.constant 0 : i32
      %dma_start3A_87 = tpu.memref_slice %arg5[%select_n3A_45, %dma_start3A_85, %dma_start3A_86] : memref<2x1250x16xi32, #tpu.memory_space<vmem>> -> memref<1x1250x16xi32, #tpu.memory_space<vmem>>
      %dma_start3A_88 = tpu.memref_squeeze %dma_start3A_87 : memref<1x1250x16xi32, #tpu.memory_space<vmem>> -> memref<1250x16xi32, #tpu.memory_space<vmem>>
      tpu.enqueue_dma source(%dma_start3A_88 : memref<1250x16xi32, #tpu.memory_space<vmem>>) target(%dma_start3A_84 : memref<1250x16xi32, #tpu.memory_space<hbm>>) target_semaphore(%arg7 : memref<!tpu.dma_semaphore, #tpu.memory_space<semaphore_mem>>)
      %scan3A_89 = arith.constant 0 : i32
      scf.yield %scan3A_89 : i32
    }
    %scan3A_20 = arith.constant 25 : i32
    %add3A_21 = arith.constant 30000 : i32
    %add3A_22 = arith.addi %mul3A_2, %add3A_21 : i32
    %dma_wait3A = arith.constant 0 : i32
    %dma_wait3A_23 = arith.constant 0 : i32
    %dma_wait3A_24 = arith.constant 0 : i32
    %dma_wait3A_25 = tpu.memref_slice %arg5[%dma_wait3A, %dma_wait3A_23, %dma_wait3A_24] : memref<2x1250x16xi32, #tpu.memory_space<vmem>> -> memref<1x1250x16xi32, #tpu.memory_space<vmem>>
    %dma_wait3A_26 = tpu.memref_squeeze %dma_wait3A_25 : memref<1x1250x16xi32, #tpu.memory_space<vmem>> -> memref<1250x16xi32, #tpu.memory_space<vmem>>
    %dma_wait3A_27 = arith.constant 0 : i32
    %dma_wait3A_28 = tpu.memref_slice %arg3[%add3A_22, %dma_wait3A_27] : memref<1000000x16xi32, #tpu.memory_space<hbm>> -> memref<1250x16xi32, #tpu.memory_space<hbm>>
    %dma_wait3A_29 = arith.constant 0 : i32
    %dma_wait3A_30 = tpu.memref_slice %arg3[%add3A_22, %dma_wait3A_29] : memref<1000000x16xi32, #tpu.memory_space<hbm>> -> memref<1250x16xi32, #tpu.memory_space<hbm>>
    %dma_wait3A_31 = arith.constant 0 : i32
    %dma_wait3A_32 = arith.constant 0 : i32
    %dma_wait3A_33 = tpu.memref_slice %arg5[%dma_wait3A, %dma_wait3A_31, %dma_wait3A_32] : memref<2x1250x16xi32, #tpu.memory_space<vmem>> -> memref<1x1250x16xi32, #tpu.memory_space<vmem>>
    %dma_wait3A_34 = tpu.memref_squeeze %dma_wait3A_33 : memref<1x1250x16xi32, #tpu.memory_space<vmem>> -> memref<1250x16xi32, #tpu.memory_space<vmem>>
    tpu.wait_dma2 semaphore(%arg7 : memref<!tpu.dma_semaphore, #tpu.memory_space<semaphore_mem>>) src(%dma_wait3A_34 : memref<1250x16xi32, #tpu.memory_space<vmem>>) dst(%dma_wait3A_30 : memref<1250x16xi32, #tpu.memory_space<hbm>>)
    return
  }
}

#map = affine_map<(d0, d1) -> (0)>
#map1 = affine_map<(d0, d1) -> (0, 0)>
module attributes {stable_mosaic.version = 14 : i64} {
  func.func @_gather_body(%arg0: i32, %arg1: i32, %arg2: memref<327680xi32, #tpu.memory_space<hbm>>, %arg3: memref<1000000x16xi32, #tpu.memory_space<hbm>>, %arg4: memref<1000000xf32, #tpu.memory_space<hbm>>, %arg5: memref<1000000xf32, #tpu.memory_space<hbm>>, %arg6: memref<327680x64xbf16, #tpu.memory_space<hbm>>, %arg7: memref<2x128xi32, #tpu.memory_space<vmem>>, %arg8: memref<2x128x16xi32, #tpu.memory_space<vmem>>, %arg9: memref<2x128xf32, #tpu.memory_space<vmem>>, %arg10: memref<2x128xf32, #tpu.memory_space<vmem>>, %arg11: memref<4096xi32, #tpu.memory_space<vmem>>, %arg12: memref<2x128x64xbf16, #tpu.memory_space<vmem>>, %arg13: memref<!tpu.dma_semaphore, #tpu.memory_space<semaphore_mem>>, %arg14: memref<!tpu.dma_semaphore, #tpu.memory_space<semaphore_mem>>, %arg15: memref<!tpu.dma_semaphore, #tpu.memory_space<semaphore_mem>>) attributes {dimension_semantics = [#tpu.dimension_semantics<core_parallel>, #tpu.dimension_semantics<subcore_parallel>], iteration_bounds = array<i64: 2, 16>, scalar_prefetch = 0 : i64, scratch_operands = 9 : i64, tpu.core_type = #tpu.core_type<sc_vector_subcore>, window_params = [{transform_indices = #map}, {transform_indices = #map1}, {transform_indices = #map}, {transform_indices = #map}, {transform_indices = #map1}]} {
    %mul3A = arith.constant 2 : i32
    %mul3A_0 = arith.muli %arg1, %mul3A : i32
    %add3A = arith.addi %mul3A_0, %arg0 : i32
    %iota3A = tpu.iota {dimensions = array<i32: 0>} : vector<16xi32>
    %broadcast_in_dim3A = arith.constant 0 : i32
    %broadcast_in_dim3A_1 = vector.broadcast %broadcast_in_dim3A : i32 to vector<16xi32>
    %mul3A_2 = arith.constant 10240 : i32
    %mul3A_3 = arith.muli %add3A, %mul3A_2 : i32
    %dma_start3A = arith.constant 0 : i32
    %dma_start3A_4 = arith.constant 0 : i32
    %dma_start3A_5 = tpu.memref_slice %arg7[%dma_start3A, %dma_start3A_4] : memref<2x128xi32, #tpu.memory_space<vmem>> -> memref<1x128xi32, #tpu.memory_space<vmem>>
    %dma_start3A_6 = tpu.memref_squeeze %dma_start3A_5 : memref<1x128xi32, #tpu.memory_space<vmem>> -> memref<128xi32, #tpu.memory_space<vmem>>
    %dma_start3A_7 = tpu.memref_slice %arg2[%mul3A_3] : memref<327680xi32, #tpu.memory_space<hbm>> -> memref<128xi32, #tpu.memory_space<hbm>>
    %dma_start3A_8 = arith.constant 0 : i32
    %dma_start3A_9 = tpu.memref_slice %arg7[%dma_start3A, %dma_start3A_8] : memref<2x128xi32, #tpu.memory_space<vmem>> -> memref<1x128xi32, #tpu.memory_space<vmem>>
    %dma_start3A_10 = tpu.memref_squeeze %dma_start3A_9 : memref<1x128xi32, #tpu.memory_space<vmem>> -> memref<128xi32, #tpu.memory_space<vmem>>
    %dma_start3A_11 = tpu.memref_slice %arg2[%mul3A_3] : memref<327680xi32, #tpu.memory_space<hbm>> -> memref<128xi32, #tpu.memory_space<hbm>>
    tpu.enqueue_dma source(%dma_start3A_11 : memref<128xi32, #tpu.memory_space<hbm>>) target(%dma_start3A_10 : memref<128xi32, #tpu.memory_space<vmem>>) target_semaphore(%arg13 : memref<!tpu.dma_semaphore, #tpu.memory_space<semaphore_mem>>)
    %dma_wait3A = arith.constant 0 : i32
    %dma_wait3A_12 = arith.constant 0 : i32
    %dma_wait3A_13 = tpu.memref_slice %arg7[%dma_wait3A, %dma_wait3A_12] : memref<2x128xi32, #tpu.memory_space<vmem>> -> memref<1x128xi32, #tpu.memory_space<vmem>>
    %dma_wait3A_14 = tpu.memref_squeeze %dma_wait3A_13 : memref<1x128xi32, #tpu.memory_space<vmem>> -> memref<128xi32, #tpu.memory_space<vmem>>
    %dma_wait3A_15 = tpu.memref_slice %arg2[%mul3A_3] : memref<327680xi32, #tpu.memory_space<hbm>> -> memref<128xi32, #tpu.memory_space<hbm>>
    %dma_wait3A_16 = arith.constant 0 : i32
    %dma_wait3A_17 = tpu.memref_slice %arg7[%dma_wait3A, %dma_wait3A_16] : memref<2x128xi32, #tpu.memory_space<vmem>> -> memref<1x128xi32, #tpu.memory_space<vmem>>
    %dma_wait3A_18 = tpu.memref_squeeze %dma_wait3A_17 : memref<1x128xi32, #tpu.memory_space<vmem>> -> memref<128xi32, #tpu.memory_space<vmem>>
    %dma_wait3A_19 = tpu.memref_slice %arg2[%mul3A_3] : memref<327680xi32, #tpu.memory_space<hbm>> -> memref<128xi32, #tpu.memory_space<hbm>>
    tpu.wait_dma2 semaphore(%arg13 : memref<!tpu.dma_semaphore, #tpu.memory_space<semaphore_mem>>) src(%dma_wait3A_19 : memref<128xi32, #tpu.memory_space<hbm>>) dst(%dma_wait3A_18 : memref<128xi32, #tpu.memory_space<vmem>>)
    %dma_start3A_20 = arith.constant 0 : i32
    %dma_start3A_21 = arith.constant 0 : i32
    %dma_start3A_22 = arith.constant 0 : i32
    %dma_start3A_23 = arith.constant 0 : i32
    %dma_start3A_24 = tpu.memref_slice %arg8[%dma_start3A_21, %dma_start3A_22, %dma_start3A_23] : memref<2x128x16xi32, #tpu.memory_space<vmem>> -> memref<1x128x16xi32, #tpu.memory_space<vmem>>
    %dma_start3A_25 = tpu.memref_squeeze %dma_start3A_24 : memref<1x128x16xi32, #tpu.memory_space<vmem>> -> memref<128x16xi32, #tpu.memory_space<vmem>>
    %dma_start3A_26 = arith.constant 0 : i32
    %dma_start3A_27 = tpu.memref_slice %arg7[%dma_start3A_20, %dma_start3A_26] : memref<2x128xi32, #tpu.memory_space<vmem>> -> memref<1x128xi32, #tpu.memory_space<vmem>>
    %dma_start3A_28 = tpu.memref_squeeze %dma_start3A_27 : memref<1x128xi32, #tpu.memory_space<vmem>> -> memref<128xi32, #tpu.memory_space<vmem>>
    %dma_start3A_29 = arith.constant 0 : i32
    %dma_start3A_30 = arith.constant 0 : i32
    %dma_start3A_31 = tpu.memref_slice %arg3[%dma_start3A_29, %dma_start3A_30] : memref<1000000x16xi32, #tpu.memory_space<hbm>> -> memref<1000000x16xi32, #tpu.memory_space<hbm>>
    tpu.enqueue_indirect_dma source(%dma_start3A_31 : memref<1000000x16xi32, #tpu.memory_space<hbm>>) target(%dma_start3A_25 : memref<128x16xi32, #tpu.memory_space<vmem>>) offsets(%dma_start3A_28 : memref<128xi32, #tpu.memory_space<vmem>>) semaphore(%arg14 : memref<!tpu.dma_semaphore, #tpu.memory_space<semaphore_mem>>)
    %dma_start3A_32 = arith.constant 0 : i32
    %dma_start3A_33 = arith.constant 0 : i32
    %dma_start3A_34 = arith.constant 0 : i32
    %dma_start3A_35 = tpu.memref_slice %arg9[%dma_start3A_33, %dma_start3A_34] : memref<2x128xf32, #tpu.memory_space<vmem>> -> memref<1x128xf32, #tpu.memory_space<vmem>>
    %dma_start3A_36 = tpu.memref_squeeze %dma_start3A_35 : memref<1x128xf32, #tpu.memory_space<vmem>> -> memref<128xf32, #tpu.memory_space<vmem>>
    %dma_start3A_37 = arith.constant 0 : i32
    %dma_start3A_38 = tpu.memref_slice %arg7[%dma_start3A_32, %dma_start3A_37] : memref<2x128xi32, #tpu.memory_space<vmem>> -> memref<1x128xi32, #tpu.memory_space<vmem>>
    %dma_start3A_39 = tpu.memref_squeeze %dma_start3A_38 : memref<1x128xi32, #tpu.memory_space<vmem>> -> memref<128xi32, #tpu.memory_space<vmem>>
    %dma_start3A_40 = arith.constant 0 : i32
    %dma_start3A_41 = tpu.memref_slice %arg4[%dma_start3A_40] : memref<1000000xf32, #tpu.memory_space<hbm>> -> memref<1000000xf32, #tpu.memory_space<hbm>>
    tpu.enqueue_indirect_dma source(%dma_start3A_41 : memref<1000000xf32, #tpu.memory_space<hbm>>) target(%dma_start3A_36 : memref<128xf32, #tpu.memory_space<vmem>>) offsets(%dma_start3A_39 : memref<128xi32, #tpu.memory_space<vmem>>) semaphore(%arg14 : memref<!tpu.dma_semaphore, #tpu.memory_space<semaphore_mem>>)
    %dma_start3A_42 = arith.constant 0 : i32
    %dma_start3A_43 = arith.constant 0 : i32
    %dma_start3A_44 = arith.constant 0 : i32
    %dma_start3A_45 = tpu.memref_slice %arg10[%dma_start3A_43, %dma_start3A_44] : memref<2x128xf32, #tpu.memory_space<vmem>> -> memref<1x128xf32, #tpu.memory_space<vmem>>
    %dma_start3A_46 = tpu.memref_squeeze %dma_start3A_45 : memref<1x128xf32, #tpu.memory_space<vmem>> -> memref<128xf32, #tpu.memory_space<vmem>>
    %dma_start3A_47 = arith.constant 0 : i32
    %dma_start3A_48 = tpu.memref_slice %arg7[%dma_start3A_42, %dma_start3A_47] : memref<2x128xi32, #tpu.memory_space<vmem>> -> memref<1x128xi32, #tpu.memory_space<vmem>>
    %dma_start3A_49 = tpu.memref_squeeze %dma_start3A_48 : memref<1x128xi32, #tpu.memory_space<vmem>> -> memref<128xi32, #tpu.memory_space<vmem>>
    %dma_start3A_50 = arith.constant 0 : i32
    %dma_start3A_51 = tpu.memref_slice %arg5[%dma_start3A_50] : memref<1000000xf32, #tpu.memory_space<hbm>> -> memref<1000000xf32, #tpu.memory_space<hbm>>
    tpu.enqueue_indirect_dma source(%dma_start3A_51 : memref<1000000xf32, #tpu.memory_space<hbm>>) target(%dma_start3A_46 : memref<128xf32, #tpu.memory_space<vmem>>) offsets(%dma_start3A_49 : memref<128xi32, #tpu.memory_space<vmem>>) semaphore(%arg14 : memref<!tpu.dma_semaphore, #tpu.memory_space<semaphore_mem>>)
    %scan3A = arith.constant 0 : i32
    %scan3A_52 = arith.constant 0 : i32
    %scan3A_53 = arith.constant 80 : i32
    %scan3A_54 = arith.addi %scan3A_52, %scan3A_53 : i32
    %scan3A_55 = arith.constant 1 : i32
    %scan3A_56 = scf.for %scan3A_73 = %scan3A_52 to %scan3A_54 step %scan3A_55 iter_args(%scan3A_74 = %scan3A) -> (i32)  : i32 {
      %jit3A = arith.constant 2 : i32
      %eq3A = arith.constant 0 : i32
      %eq3A_75 = arith.cmpi eq, %jit3A, %eq3A : i32
      %jit3A_76 = arith.constant 1 : i32
      %select_n3A = arith.select %eq3A_75, %jit3A_76, %jit3A : i32
      %rem3A = arith.remsi %scan3A_73, %select_n3A : i32
      %ne3A = arith.constant 0 : i32
      %ne3A_77 = arith.cmpi ne, %rem3A, %ne3A : i32
      %lt3A = arith.constant 0 : i32
      %lt3A_78 = arith.cmpi slt, %rem3A, %lt3A : i32
      %lt3A_79 = arith.constant 0 : i32
      %lt3A_80 = arith.cmpi slt, %select_n3A, %lt3A_79 : i32
      %ne3A_81 = arith.xori %lt3A_78, %lt3A_80 : i1
      %and3A = arith.andi %ne3A_81, %ne3A_77 : i1
      %add3A_82 = arith.addi %rem3A, %select_n3A : i32
      %select_n3A_83 = arith.select %and3A, %add3A_82, %rem3A : i32
      %mul3A_84 = arith.constant 128 : i32
      %mul3A_85 = arith.muli %scan3A_73, %mul3A_84 : i32
      %add3A_86 = arith.addi %mul3A_3, %mul3A_85 : i32
      %dma_wait3A_87 = arith.constant 0 : i32
      %dma_wait3A_88 = arith.constant 0 : i32
      %dma_wait3A_89 = tpu.memref_slice %arg8[%select_n3A_83, %dma_wait3A_87, %dma_wait3A_88] : memref<2x128x16xi32, #tpu.memory_space<vmem>> -> memref<1x128x16xi32, #tpu.memory_space<vmem>>
      %dma_wait3A_90 = tpu.memref_squeeze %dma_wait3A_89 : memref<1x128x16xi32, #tpu.memory_space<vmem>> -> memref<128x16xi32, #tpu.memory_space<vmem>>
      %dma_wait3A_91 = arith.constant 0 : i32
      %dma_wait3A_92 = tpu.memref_slice %arg7[%select_n3A_83, %dma_wait3A_91] : memref<2x128xi32, #tpu.memory_space<vmem>> -> memref<1x128xi32, #tpu.memory_space<vmem>>
      %dma_wait3A_93 = tpu.memref_squeeze %dma_wait3A_92 : memref<1x128xi32, #tpu.memory_space<vmem>> -> memref<128xi32, #tpu.memory_space<vmem>>
      %dma_wait3A_94 = arith.constant 0 : i32
      %dma_wait3A_95 = arith.constant 0 : i32
      %dma_wait3A_96 = tpu.memref_slice %arg3[%dma_wait3A_94, %dma_wait3A_95] : memref<1000000x16xi32, #tpu.memory_space<hbm>> -> memref<1000000x16xi32, #tpu.memory_space<hbm>>
      tpu.wait_indirect_dma semaphore(%arg14 : memref<!tpu.dma_semaphore, #tpu.memory_space<semaphore_mem>>) src(%dma_wait3A_96 : memref<1000000x16xi32, #tpu.memory_space<hbm>>) dst(%dma_wait3A_90 : memref<128x16xi32, #tpu.memory_space<vmem>>)
      %dma_wait3A_97 = arith.constant 0 : i32
      %dma_wait3A_98 = tpu.memref_slice %arg9[%select_n3A_83, %dma_wait3A_97] : memref<2x128xf32, #tpu.memory_space<vmem>> -> memref<1x128xf32, #tpu.memory_space<vmem>>
      %dma_wait3A_99 = tpu.memref_squeeze %dma_wait3A_98 : memref<1x128xf32, #tpu.memory_space<vmem>> -> memref<128xf32, #tpu.memory_space<vmem>>
      %dma_wait3A_100 = arith.constant 0 : i32
      %dma_wait3A_101 = tpu.memref_slice %arg7[%select_n3A_83, %dma_wait3A_100] : memref<2x128xi32, #tpu.memory_space<vmem>> -> memref<1x128xi32, #tpu.memory_space<vmem>>
      %dma_wait3A_102 = tpu.memref_squeeze %dma_wait3A_101 : memref<1x128xi32, #tpu.memory_space<vmem>> -> memref<128xi32, #tpu.memory_space<vmem>>
      %dma_wait3A_103 = arith.constant 0 : i32
      %dma_wait3A_104 = tpu.memref_slice %arg4[%dma_wait3A_103] : memref<1000000xf32, #tpu.memory_space<hbm>> -> memref<1000000xf32, #tpu.memory_space<hbm>>
      tpu.wait_indirect_dma semaphore(%arg14 : memref<!tpu.dma_semaphore, #tpu.memory_space<semaphore_mem>>) src(%dma_wait3A_104 : memref<1000000xf32, #tpu.memory_space<hbm>>) dst(%dma_wait3A_99 : memref<128xf32, #tpu.memory_space<vmem>>)
      %dma_wait3A_105 = arith.constant 0 : i32
      %dma_wait3A_106 = tpu.memref_slice %arg10[%select_n3A_83, %dma_wait3A_105] : memref<2x128xf32, #tpu.memory_space<vmem>> -> memref<1x128xf32, #tpu.memory_space<vmem>>
      %dma_wait3A_107 = tpu.memref_squeeze %dma_wait3A_106 : memref<1x128xf32, #tpu.memory_space<vmem>> -> memref<128xf32, #tpu.memory_space<vmem>>
      %dma_wait3A_108 = arith.constant 0 : i32
      %dma_wait3A_109 = tpu.memref_slice %arg7[%select_n3A_83, %dma_wait3A_108] : memref<2x128xi32, #tpu.memory_space<vmem>> -> memref<1x128xi32, #tpu.memory_space<vmem>>
      %dma_wait3A_110 = tpu.memref_squeeze %dma_wait3A_109 : memref<1x128xi32, #tpu.memory_space<vmem>> -> memref<128xi32, #tpu.memory_space<vmem>>
      %dma_wait3A_111 = arith.constant 0 : i32
      %dma_wait3A_112 = tpu.memref_slice %arg5[%dma_wait3A_111] : memref<1000000xf32, #tpu.memory_space<hbm>> -> memref<1000000xf32, #tpu.memory_space<hbm>>
      tpu.wait_indirect_dma semaphore(%arg14 : memref<!tpu.dma_semaphore, #tpu.memory_space<semaphore_mem>>) src(%dma_wait3A_112 : memref<1000000xf32, #tpu.memory_space<hbm>>) dst(%dma_wait3A_107 : memref<128xf32, #tpu.memory_space<vmem>>)
      %add3A_113 = arith.constant 1 : i32
      %add3A_114 = arith.addi %scan3A_73, %add3A_113 : i32
      %lt3A_115 = arith.constant 80 : i32
      %lt3A_116 = arith.cmpi slt, %add3A_114, %lt3A_115 : i32
      %convert_element_type3A = arith.extui %lt3A_116 : i1 to i32
      %cond3A = arith.constant 0 : i32
      %cond3A_117 = arith.cmpi ne, %convert_element_type3A, %cond3A : i32
      scf.if %cond3A_117 {
        %add3A_149 = arith.constant 128 : i32
        %add3A_150 = arith.addi %add3A_86, %add3A_149 : i32
        %sub3A = arith.constant 1 : i32
        %sub3A_151 = arith.subi %sub3A, %select_n3A_83 : i32
        %dma_start3A_152 = arith.constant 0 : i32
        %dma_start3A_153 = tpu.memref_slice %arg7[%sub3A_151, %dma_start3A_152] : memref<2x128xi32, #tpu.memory_space<vmem>> -> memref<1x128xi32, #tpu.memory_space<vmem>>
        %dma_start3A_154 = tpu.memref_squeeze %dma_start3A_153 : memref<1x128xi32, #tpu.memory_space<vmem>> -> memref<128xi32, #tpu.memory_space<vmem>>
        %dma_start3A_155 = tpu.memref_slice %arg2[%add3A_150] : memref<327680xi32, #tpu.memory_space<hbm>> -> memref<128xi32, #tpu.memory_space<hbm>>
        %dma_start3A_156 = arith.constant 0 : i32
        %dma_start3A_157 = tpu.memref_slice %arg7[%sub3A_151, %dma_start3A_156] : memref<2x128xi32, #tpu.memory_space<vmem>> -> memref<1x128xi32, #tpu.memory_space<vmem>>
        %dma_start3A_158 = tpu.memref_squeeze %dma_start3A_157 : memref<1x128xi32, #tpu.memory_space<vmem>> -> memref<128xi32, #tpu.memory_space<vmem>>
        %dma_start3A_159 = tpu.memref_slice %arg2[%add3A_150] : memref<327680xi32, #tpu.memory_space<hbm>> -> memref<128xi32, #tpu.memory_space<hbm>>
        tpu.enqueue_dma source(%dma_start3A_159 : memref<128xi32, #tpu.memory_space<hbm>>) target(%dma_start3A_158 : memref<128xi32, #tpu.memory_space<vmem>>) target_semaphore(%arg13 : memref<!tpu.dma_semaphore, #tpu.memory_space<semaphore_mem>>)
        %sub3A_160 = arith.constant 1 : i32
        %sub3A_161 = arith.subi %sub3A_160, %select_n3A_83 : i32
        %dma_wait3A_162 = arith.constant 0 : i32
        %dma_wait3A_163 = tpu.memref_slice %arg7[%sub3A_161, %dma_wait3A_162] : memref<2x128xi32, #tpu.memory_space<vmem>> -> memref<1x128xi32, #tpu.memory_space<vmem>>
        %dma_wait3A_164 = tpu.memref_squeeze %dma_wait3A_163 : memref<1x128xi32, #tpu.memory_space<vmem>> -> memref<128xi32, #tpu.memory_space<vmem>>
        %dma_wait3A_165 = tpu.memref_slice %arg2[%add3A_150] : memref<327680xi32, #tpu.memory_space<hbm>> -> memref<128xi32, #tpu.memory_space<hbm>>
        %dma_wait3A_166 = arith.constant 0 : i32
        %dma_wait3A_167 = tpu.memref_slice %arg7[%sub3A_161, %dma_wait3A_166] : memref<2x128xi32, #tpu.memory_space<vmem>> -> memref<1x128xi32, #tpu.memory_space<vmem>>
        %dma_wait3A_168 = tpu.memref_squeeze %dma_wait3A_167 : memref<1x128xi32, #tpu.memory_space<vmem>> -> memref<128xi32, #tpu.memory_space<vmem>>
        %dma_wait3A_169 = tpu.memref_slice %arg2[%add3A_150] : memref<327680xi32, #tpu.memory_space<hbm>> -> memref<128xi32, #tpu.memory_space<hbm>>
        tpu.wait_dma2 semaphore(%arg13 : memref<!tpu.dma_semaphore, #tpu.memory_space<semaphore_mem>>) src(%dma_wait3A_169 : memref<128xi32, #tpu.memory_space<hbm>>) dst(%dma_wait3A_168 : memref<128xi32, #tpu.memory_space<vmem>>)
        %dma_start3A_170 = arith.constant 0 : i32
        %dma_start3A_171 = arith.constant 0 : i32
        %dma_start3A_172 = tpu.memref_slice %arg8[%sub3A_161, %dma_start3A_170, %dma_start3A_171] : memref<2x128x16xi32, #tpu.memory_space<vmem>> -> memref<1x128x16xi32, #tpu.memory_space<vmem>>
        %dma_start3A_173 = tpu.memref_squeeze %dma_start3A_172 : memref<1x128x16xi32, #tpu.memory_space<vmem>> -> memref<128x16xi32, #tpu.memory_space<vmem>>
        %dma_start3A_174 = arith.constant 0 : i32
        %dma_start3A_175 = tpu.memref_slice %arg7[%sub3A_161, %dma_start3A_174] : memref<2x128xi32, #tpu.memory_space<vmem>> -> memref<1x128xi32, #tpu.memory_space<vmem>>
        %dma_start3A_176 = tpu.memref_squeeze %dma_start3A_175 : memref<1x128xi32, #tpu.memory_space<vmem>> -> memref<128xi32, #tpu.memory_space<vmem>>
        %dma_start3A_177 = arith.constant 0 : i32
        %dma_start3A_178 = arith.constant 0 : i32
        %dma_start3A_179 = tpu.memref_slice %arg3[%dma_start3A_177, %dma_start3A_178] : memref<1000000x16xi32, #tpu.memory_space<hbm>> -> memref<1000000x16xi32, #tpu.memory_space<hbm>>
        tpu.enqueue_indirect_dma source(%dma_start3A_179 : memref<1000000x16xi32, #tpu.memory_space<hbm>>) target(%dma_start3A_173 : memref<128x16xi32, #tpu.memory_space<vmem>>) offsets(%dma_start3A_176 : memref<128xi32, #tpu.memory_space<vmem>>) semaphore(%arg14 : memref<!tpu.dma_semaphore, #tpu.memory_space<semaphore_mem>>)
        %dma_start3A_180 = arith.constant 0 : i32
        %dma_start3A_181 = tpu.memref_slice %arg9[%sub3A_161, %dma_start3A_180] : memref<2x128xf32, #tpu.memory_space<vmem>> -> memref<1x128xf32, #tpu.memory_space<vmem>>
        %dma_start3A_182 = tpu.memref_squeeze %dma_start3A_181 : memref<1x128xf32, #tpu.memory_space<vmem>> -> memref<128xf32, #tpu.memory_space<vmem>>
        %dma_start3A_183 = arith.constant 0 : i32
        %dma_start3A_184 = tpu.memref_slice %arg7[%sub3A_161, %dma_start3A_183] : memref<2x128xi32, #tpu.memory_space<vmem>> -> memref<1x128xi32, #tpu.memory_space<vmem>>
        %dma_start3A_185 = tpu.memref_squeeze %dma_start3A_184 : memref<1x128xi32, #tpu.memory_space<vmem>> -> memref<128xi32, #tpu.memory_space<vmem>>
        %dma_start3A_186 = arith.constant 0 : i32
        %dma_start3A_187 = tpu.memref_slice %arg4[%dma_start3A_186] : memref<1000000xf32, #tpu.memory_space<hbm>> -> memref<1000000xf32, #tpu.memory_space<hbm>>
        tpu.enqueue_indirect_dma source(%dma_start3A_187 : memref<1000000xf32, #tpu.memory_space<hbm>>) target(%dma_start3A_182 : memref<128xf32, #tpu.memory_space<vmem>>) offsets(%dma_start3A_185 : memref<128xi32, #tpu.memory_space<vmem>>) semaphore(%arg14 : memref<!tpu.dma_semaphore, #tpu.memory_space<semaphore_mem>>)
        %dma_start3A_188 = arith.constant 0 : i32
        %dma_start3A_189 = tpu.memref_slice %arg10[%sub3A_161, %dma_start3A_188] : memref<2x128xf32, #tpu.memory_space<vmem>> -> memref<1x128xf32, #tpu.memory_space<vmem>>
        %dma_start3A_190 = tpu.memref_squeeze %dma_start3A_189 : memref<1x128xf32, #tpu.memory_space<vmem>> -> memref<128xf32, #tpu.memory_space<vmem>>
        %dma_start3A_191 = arith.constant 0 : i32
        %dma_start3A_192 = tpu.memref_slice %arg7[%sub3A_161, %dma_start3A_191] : memref<2x128xi32, #tpu.memory_space<vmem>> -> memref<1x128xi32, #tpu.memory_space<vmem>>
        %dma_start3A_193 = tpu.memref_squeeze %dma_start3A_192 : memref<1x128xi32, #tpu.memory_space<vmem>> -> memref<128xi32, #tpu.memory_space<vmem>>
        %dma_start3A_194 = arith.constant 0 : i32
        %dma_start3A_195 = tpu.memref_slice %arg5[%dma_start3A_194] : memref<1000000xf32, #tpu.memory_space<hbm>> -> memref<1000000xf32, #tpu.memory_space<hbm>>
        tpu.enqueue_indirect_dma source(%dma_start3A_195 : memref<1000000xf32, #tpu.memory_space<hbm>>) target(%dma_start3A_190 : memref<128xf32, #tpu.memory_space<vmem>>) offsets(%dma_start3A_193 : memref<128xi32, #tpu.memory_space<vmem>>) semaphore(%arg14 : memref<!tpu.dma_semaphore, #tpu.memory_space<semaphore_mem>>)
      } else {
      }
      %ge3A = arith.constant 1 : i32
      %ge3A_118 = arith.cmpi sge, %scan3A_73, %ge3A : i32
      %convert_element_type3A_119 = arith.extui %ge3A_118 : i1 to i32
      %cond3A_120 = arith.constant 0 : i32
      %cond3A_121 = arith.cmpi ne, %convert_element_type3A_119, %cond3A_120 : i32
      scf.if %cond3A_121 {
        %sub3A = arith.constant 1 : i32
        %sub3A_149 = arith.subi %sub3A, %select_n3A_83 : i32
        %sub3A_150 = arith.constant 128 : i32
        %sub3A_151 = arith.subi %add3A_86, %sub3A_150 : i32
        %dma_wait3A_152 = arith.constant 0 : i32
        %dma_wait3A_153 = arith.constant 0 : i32
        %dma_wait3A_154 = tpu.memref_slice %arg12[%sub3A_149, %dma_wait3A_152, %dma_wait3A_153] : memref<2x128x64xbf16, #tpu.memory_space<vmem>> -> memref<1x128x64xbf16, #tpu.memory_space<vmem>>
        %dma_wait3A_155 = tpu.memref_squeeze %dma_wait3A_154 : memref<1x128x64xbf16, #tpu.memory_space<vmem>> -> memref<128x64xbf16, #tpu.memory_space<vmem>>
        %dma_wait3A_156 = arith.constant 0 : i32
        %dma_wait3A_157 = tpu.memref_slice %arg6[%sub3A_151, %dma_wait3A_156] : memref<327680x64xbf16, #tpu.memory_space<hbm>> -> memref<128x64xbf16, #tpu.memory_space<hbm>>
        %dma_wait3A_158 = arith.constant 0 : i32
        %dma_wait3A_159 = tpu.memref_slice %arg6[%sub3A_151, %dma_wait3A_158] : memref<327680x64xbf16, #tpu.memory_space<hbm>> -> memref<128x64xbf16, #tpu.memory_space<hbm>>
        %dma_wait3A_160 = arith.constant 0 : i32
        %dma_wait3A_161 = arith.constant 0 : i32
        %dma_wait3A_162 = tpu.memref_slice %arg12[%sub3A_149, %dma_wait3A_160, %dma_wait3A_161] : memref<2x128x64xbf16, #tpu.memory_space<vmem>> -> memref<1x128x64xbf16, #tpu.memory_space<vmem>>
        %dma_wait3A_163 = tpu.memref_squeeze %dma_wait3A_162 : memref<1x128x64xbf16, #tpu.memory_space<vmem>> -> memref<128x64xbf16, #tpu.memory_space<vmem>>
        tpu.wait_dma2 semaphore(%arg15 : memref<!tpu.dma_semaphore, #tpu.memory_space<semaphore_mem>>) src(%dma_wait3A_163 : memref<128x64xbf16, #tpu.memory_space<vmem>>) dst(%dma_wait3A_159 : memref<128x64xbf16, #tpu.memory_space<hbm>>)
      } else {
      }
      %scan3A_122 = arith.constant 0 : i32
      %scan3A_123 = arith.constant 0 : i32
      %scan3A_124 = arith.constant 128 : i32
      %scan3A_125 = arith.addi %scan3A_123, %scan3A_124 : i32
      %scan3A_126 = arith.constant 1 : i32
      %scan3A_127 = scf.for %scan3A_149 = %scan3A_123 to %scan3A_125 step %scan3A_126 iter_args(%scan3A_150 = %scan3A_122) -> (i32)  : i32 {
        %get3A = arith.index_cast %select_n3A_83 : i32 to index
        %get3A_151 = arith.index_cast %scan3A_149 : i32 to index
        %get3A_152 = arith.constant 0 : index
        %get3A_153 = tpu.vector_load %arg8[%get3A, %get3A_151, %get3A_152] {strides = array<i32>} : memref<2x128x16xi32, #tpu.memory_space<vmem>>, vector<16xi32>,
        %add3A_154 = vector.broadcast %scan3A_149 : i32 to vector<16xi32>
        %add3A_155 = arith.addi %broadcast_in_dim3A_1, %add3A_154 : vector<16xi32>
        %gather3A = arith.constant 0 : i32
        %gather3A_156 = tpu.memref_slice %arg9[%select_n3A_83, %gather3A] : memref<2x128xf32, #tpu.memory_space<vmem>> -> memref<1x128xf32, #tpu.memory_space<vmem>>
        %gather3A_157 = tpu.memref_squeeze %gather3A_156 : memref<1x128xf32, #tpu.memory_space<vmem>> -> memref<128xf32, #tpu.memory_space<vmem>>
        %gather3A_158 = tpu.vector_load_idx %gather3A_157[%add3A_155] : memref<128xf32, #tpu.memory_space<vmem>>[vector<16xi32>], vector<16xf32>,
        %gather3A_159 = arith.constant 0 : i32
        %gather3A_160 = tpu.memref_slice %arg10[%select_n3A_83, %gather3A_159] : memref<2x128xf32, #tpu.memory_space<vmem>> -> memref<1x128xf32, #tpu.memory_space<vmem>>
        %gather3A_161 = tpu.memref_squeeze %gather3A_160 : memref<1x128xf32, #tpu.memory_space<vmem>> -> memref<128xf32, #tpu.memory_space<vmem>>
        %gather3A_162 = tpu.vector_load_idx %gather3A_161[%add3A_155] : memref<128xf32, #tpu.memory_space<vmem>>[vector<16xi32>], vector<16xf32>,
        %shift_left3A = arith.constant 24 : i32
        %shift_left3A_163 = vector.broadcast %shift_left3A : i32 to vector<16xi32>
        %shift_left3A_164 = arith.shli %get3A_153, %shift_left3A_163 : vector<16xi32>
        %shift_right_arithmetic3A = arith.constant 24 : i32
        %shift_right_arithmetic3A_165 = vector.broadcast %shift_right_arithmetic3A : i32 to vector<16xi32>
        %shift_right_arithmetic3A_166 = arith.shrsi %shift_left3A_164, %shift_right_arithmetic3A_165 : vector<16xi32>
        %convert_element_type3A_167 = arith.sitofp %shift_right_arithmetic3A_166 : vector<16xi32> to vector<16xf32>
        %add3A_168 = arith.addf %convert_element_type3A_167, %gather3A_162 : vector<16xf32>
        %mul3A_169 = arith.mulf %gather3A_158, %add3A_168 : vector<16xf32>
        %shift_left3A_170 = arith.constant 16 : i32
        %shift_left3A_171 = vector.broadcast %shift_left3A_170 : i32 to vector<16xi32>
        %shift_left3A_172 = arith.shli %get3A_153, %shift_left3A_171 : vector<16xi32>
        %shift_right_arithmetic3A_173 = arith.constant 24 : i32
        %shift_right_arithmetic3A_174 = vector.broadcast %shift_right_arithmetic3A_173 : i32 to vector<16xi32>
        %shift_right_arithmetic3A_175 = arith.shrsi %shift_left3A_172, %shift_right_arithmetic3A_174 : vector<16xi32>
        %convert_element_type3A_176 = arith.sitofp %shift_right_arithmetic3A_175 : vector<16xi32> to vector<16xf32>
        %add3A_177 = arith.addf %convert_element_type3A_176, %gather3A_162 : vector<16xf32>
        %mul3A_178 = arith.mulf %gather3A_158, %add3A_177 : vector<16xf32>
        %shift_left3A_179 = arith.constant 8 : i32
        %shift_left3A_180 = vector.broadcast %shift_left3A_179 : i32 to vector<16xi32>
        %shift_left3A_181 = arith.shli %get3A_153, %shift_left3A_180 : vector<16xi32>
        %shift_right_arithmetic3A_182 = arith.constant 24 : i32
        %shift_right_arithmetic3A_183 = vector.broadcast %shift_right_arithmetic3A_182 : i32 to vector<16xi32>
        %shift_right_arithmetic3A_184 = arith.shrsi %shift_left3A_181, %shift_right_arithmetic3A_183 : vector<16xi32>
        %convert_element_type3A_185 = arith.sitofp %shift_right_arithmetic3A_184 : vector<16xi32> to vector<16xf32>
        %add3A_186 = arith.addf %convert_element_type3A_185, %gather3A_162 : vector<16xf32>
        %mul3A_187 = arith.mulf %gather3A_158, %add3A_186 : vector<16xf32>
        %shift_right_arithmetic3A_188 = arith.constant 24 : i32
        %shift_right_arithmetic3A_189 = vector.broadcast %shift_right_arithmetic3A_188 : i32 to vector<16xi32>
        %shift_right_arithmetic3A_190 = arith.shrsi %get3A_153, %shift_right_arithmetic3A_189 : vector<16xi32>
        %convert_element_type3A_191 = arith.sitofp %shift_right_arithmetic3A_190 : vector<16xi32> to vector<16xf32>
        %add3A_192 = arith.addf %convert_element_type3A_191, %gather3A_162 : vector<16xf32>
        %mul3A_193 = arith.mulf %gather3A_158, %add3A_192 : vector<16xf32>
        %pack3A = tpu.pack_subelements %mul3A_169, %mul3A_178 {pack_format = #tpu.pack_format<interleaved>, positions = array<i32: 0, 1>} : vector<16xf32>, vector<16xf32> -> vector<32xbf16>
        %bitcast3A = vector.bitcast %pack3A : vector<32xbf16> to vector<16xi32>
        %pack3A_194 = tpu.pack_subelements %mul3A_187, %mul3A_193 {pack_format = #tpu.pack_format<interleaved>, positions = array<i32: 0, 1>} : vector<16xf32>, vector<16xf32> -> vector<32xbf16>
        %bitcast3A_195 = vector.bitcast %pack3A_194 : vector<32xbf16> to vector<16xi32>
        %mul3A_196 = arith.constant 32 : i32
        %mul3A_197 = arith.muli %scan3A_149, %mul3A_196 : i32
        %mul3A_198 = arith.constant 2 : i32
        %mul3A_199 = vector.broadcast %mul3A_198 : i32 to vector<16xi32>
        %mul3A_200 = arith.muli %mul3A_199, %iota3A : vector<16xi32>
        %add3A_201 = vector.broadcast %mul3A_197 : i32 to vector<16xi32>
        %add3A_202 = arith.addi %add3A_201, %mul3A_200 : vector<16xi32>
        tpu.vector_store_idx %arg11[%add3A_202], %bitcast3A : memref<4096xi32, #tpu.memory_space<vmem>>[vector<16xi32>], vector<16xi32>,
        %add3A_203 = arith.constant 1 : i32
        %add3A_204 = vector.broadcast %add3A_203 : i32 to vector<16xi32>
        %add3A_205 = arith.addi %add3A_202, %add3A_204 : vector<16xi32>
        tpu.vector_store_idx %arg11[%add3A_205], %bitcast3A_195 : memref<4096xi32, #tpu.memory_space<vmem>>[vector<16xi32>], vector<16xi32>,
        %scan3A_206 = arith.constant 0 : i32
        scf.yield %scan3A_206 : i32
      }
      %scan3A_128 = arith.constant 128 : i32
      %scan3A_129 = arith.constant 0 : i32
      %scan3A_130 = arith.constant 0 : i32
      %scan3A_131 = arith.constant 64 : i32
      %scan3A_132 = arith.addi %scan3A_130, %scan3A_131 : i32
      %scan3A_133 = arith.constant 1 : i32
      %scan3A_134 = scf.for %scan3A_149 = %scan3A_130 to %scan3A_132 step %scan3A_133 iter_args(%scan3A_150 = %scan3A_129) -> (i32)  : i32 {
        %mul3A_151 = arith.constant 2 : i32
        %mul3A_152 = arith.muli %mul3A_151, %scan3A_149 : i32
        %add3A_153 = arith.constant 0 : i32
        %add3A_154 = arith.addi %mul3A_152, %add3A_153 : i32
        %mul3A_155 = arith.constant 32 : i32
        %mul3A_156 = arith.muli %add3A_154, %mul3A_155 : i32
        %multiple_of3A = tpu.assume_multiple %mul3A_156, 32 : i32
        %get3A = arith.index_cast %multiple_of3A : i32 to index
        %get3A_157 = tpu.vector_load %arg11[%get3A] {strides = array<i32>} : memref<4096xi32, #tpu.memory_space<vmem>>, vector<16xi32>,
        %bitcast3A = vector.bitcast %get3A_157 : vector<16xi32> to vector<32xbf16>
        %swap3A = arith.index_cast %select_n3A_83 : i32 to index
        %swap3A_158 = arith.index_cast %add3A_154 : i32 to index
        %swap3A_159 = arith.constant 0 : index
        %swap3A_160 = tpu.vector_load %arg12[%swap3A, %swap3A_158, %swap3A_159] {strides = array<i32>} : memref<2x128x64xbf16, #tpu.memory_space<vmem>>, vector<32xbf16>,
        tpu.vector_store %arg12[%swap3A, %swap3A_158, %swap3A_159], %bitcast3A {strides = array<i32>} : memref<2x128x64xbf16, #tpu.memory_space<vmem>>, vector<32xbf16>,
        %add3A_161 = arith.constant 16 : i32
        %add3A_162 = arith.addi %multiple_of3A, %add3A_161 : i32
        %get3A_163 = arith.index_cast %add3A_162 : i32 to index
        %get3A_164 = tpu.vector_load %arg11[%get3A_163] {strides = array<i32>} : memref<4096xi32, #tpu.memory_space<vmem>>, vector<16xi32>,
        %bitcast3A_165 = vector.bitcast %get3A_164 : vector<16xi32> to vector<32xbf16>
        %swap3A_166 = arith.index_cast %select_n3A_83 : i32 to index
        %swap3A_167 = arith.index_cast %add3A_154 : i32 to index
        %swap3A_168 = arith.constant 32 : index
        %swap3A_169 = tpu.vector_load %arg12[%swap3A_166, %swap3A_167, %swap3A_168] {strides = array<i32>} : memref<2x128x64xbf16, #tpu.memory_space<vmem>>, vector<32xbf16>,
        tpu.vector_store %arg12[%swap3A_166, %swap3A_167, %swap3A_168], %bitcast3A_165 {strides = array<i32>} : memref<2x128x64xbf16, #tpu.memory_space<vmem>>, vector<32xbf16>,
        %mul3A_170 = arith.constant 2 : i32
        %mul3A_171 = arith.muli %mul3A_170, %scan3A_149 : i32
        %add3A_172 = arith.constant 1 : i32
        %add3A_173 = arith.addi %mul3A_171, %add3A_172 : i32
        %mul3A_174 = arith.constant 32 : i32
        %mul3A_175 = arith.muli %add3A_173, %mul3A_174 : i32
        %multiple_of3A_176 = tpu.assume_multiple %mul3A_175, 32 : i32
        %get3A_177 = arith.index_cast %multiple_of3A_176 : i32 to index
        %get3A_178 = tpu.vector_load %arg11[%get3A_177] {strides = array<i32>} : memref<4096xi32, #tpu.memory_space<vmem>>, vector<16xi32>,
        %bitcast3A_179 = vector.bitcast %get3A_178 : vector<16xi32> to vector<32xbf16>
        %swap3A_180 = arith.index_cast %select_n3A_83 : i32 to index
        %swap3A_181 = arith.index_cast %add3A_173 : i32 to index
        %swap3A_182 = arith.constant 0 : index
        %swap3A_183 = tpu.vector_load %arg12[%swap3A_180, %swap3A_181, %swap3A_182] {strides = array<i32>} : memref<2x128x64xbf16, #tpu.memory_space<vmem>>, vector<32xbf16>,
        tpu.vector_store %arg12[%swap3A_180, %swap3A_181, %swap3A_182], %bitcast3A_179 {strides = array<i32>} : memref<2x128x64xbf16, #tpu.memory_space<vmem>>, vector<32xbf16>,
        %add3A_184 = arith.constant 16 : i32
        %add3A_185 = arith.addi %multiple_of3A_176, %add3A_184 : i32
        %get3A_186 = arith.index_cast %add3A_185 : i32 to index
        %get3A_187 = tpu.vector_load %arg11[%get3A_186] {strides = array<i32>} : memref<4096xi32, #tpu.memory_space<vmem>>, vector<16xi32>,
        %bitcast3A_188 = vector.bitcast %get3A_187 : vector<16xi32> to vector<32xbf16>
        %swap3A_189 = arith.index_cast %select_n3A_83 : i32 to index
        %swap3A_190 = arith.index_cast %add3A_173 : i32 to index
        %swap3A_191 = arith.constant 32 : index
        %swap3A_192 = tpu.vector_load %arg12[%swap3A_189, %swap3A_190, %swap3A_191] {strides = array<i32>} : memref<2x128x64xbf16, #tpu.memory_space<vmem>>, vector<32xbf16>,
        tpu.vector_store %arg12[%swap3A_189, %swap3A_190, %swap3A_191], %bitcast3A_188 {strides = array<i32>} : memref<2x128x64xbf16, #tpu.memory_space<vmem>>, vector<32xbf16>,
        %scan3A_193 = arith.constant 0 : i32
        scf.yield %scan3A_193 : i32
      }
      %scan3A_135 = arith.constant 64 : i32
      %dma_start3A_136 = arith.constant 0 : i32
      %dma_start3A_137 = arith.constant 0 : i32
      %dma_start3A_138 = tpu.memref_slice %arg12[%select_n3A_83, %dma_start3A_136, %dma_start3A_137] : memref<2x128x64xbf16, #tpu.memory_space<vmem>> -> memref<1x128x64xbf16, #tpu.memory_space<vmem>>
      %dma_start3A_139 = tpu.memref_squeeze %dma_start3A_138 : memref<1x128x64xbf16, #tpu.memory_space<vmem>> -> memref<128x64xbf16, #tpu.memory_space<vmem>>
      %dma_start3A_140 = arith.constant 0 : i32
      %dma_start3A_141 = tpu.memref_slice %arg6[%add3A_86, %dma_start3A_140] : memref<327680x64xbf16, #tpu.memory_space<hbm>> -> memref<128x64xbf16, #tpu.memory_space<hbm>>
      %dma_start3A_142 = arith.constant 0 : i32
      %dma_start3A_143 = tpu.memref_slice %arg6[%add3A_86, %dma_start3A_142] : memref<327680x64xbf16, #tpu.memory_space<hbm>> -> memref<128x64xbf16, #tpu.memory_space<hbm>>
      %dma_start3A_144 = arith.constant 0 : i32
      %dma_start3A_145 = arith.constant 0 : i32
      %dma_start3A_146 = tpu.memref_slice %arg12[%select_n3A_83, %dma_start3A_144, %dma_start3A_145] : memref<2x128x64xbf16, #tpu.memory_space<vmem>> -> memref<1x128x64xbf16, #tpu.memory_space<vmem>>
      %dma_start3A_147 = tpu.memref_squeeze %dma_start3A_146 : memref<1x128x64xbf16, #tpu.memory_space<vmem>> -> memref<128x64xbf16, #tpu.memory_space<vmem>>
      tpu.enqueue_dma source(%dma_start3A_147 : memref<128x64xbf16, #tpu.memory_space<vmem>>) target(%dma_start3A_143 : memref<128x64xbf16, #tpu.memory_space<hbm>>) target_semaphore(%arg15 : memref<!tpu.dma_semaphore, #tpu.memory_space<semaphore_mem>>)
      %scan3A_148 = arith.constant 0 : i32
      scf.yield %scan3A_148 : i32
    }
    %scan3A_57 = arith.constant 80 : i32
    %add3A_58 = arith.constant 10112 : i32
    %add3A_59 = arith.addi %mul3A_3, %add3A_58 : i32
    %dma_wait3A_60 = arith.constant 1 : i32
    %dma_wait3A_61 = arith.constant 0 : i32
    %dma_wait3A_62 = arith.constant 0 : i32
    %dma_wait3A_63 = tpu.memref_slice %arg12[%dma_wait3A_60, %dma_wait3A_61, %dma_wait3A_62] : memref<2x128x64xbf16, #tpu.memory_space<vmem>> -> memref<1x128x64xbf16, #tpu.memory_space<vmem>>
    %dma_wait3A_64 = tpu.memref_squeeze %dma_wait3A_63 : memref<1x128x64xbf16, #tpu.memory_space<vmem>> -> memref<128x64xbf16, #tpu.memory_space<vmem>>
    %dma_wait3A_65 = arith.constant 0 : i32
    %dma_wait3A_66 = tpu.memref_slice %arg6[%add3A_59, %dma_wait3A_65] : memref<327680x64xbf16, #tpu.memory_space<hbm>> -> memref<128x64xbf16, #tpu.memory_space<hbm>>
    %dma_wait3A_67 = arith.constant 0 : i32
    %dma_wait3A_68 = tpu.memref_slice %arg6[%add3A_59, %dma_wait3A_67] : memref<327680x64xbf16, #tpu.memory_space<hbm>> -> memref<128x64xbf16, #tpu.memory_space<hbm>>
    %dma_wait3A_69 = arith.constant 0 : i32
    %dma_wait3A_70 = arith.constant 0 : i32
    %dma_wait3A_71 = tpu.memref_slice %arg12[%dma_wait3A_60, %dma_wait3A_69, %dma_wait3A_70] : memref<2x128x64xbf16, #tpu.memory_space<vmem>> -> memref<1x128x64xbf16, #tpu.memory_space<vmem>>
    %dma_wait3A_72 = tpu.memref_squeeze %dma_wait3A_71 : memref<1x128x64xbf16, #tpu.memory_space<vmem>> -> memref<128x64xbf16, #tpu.memory_space<vmem>>
    tpu.wait_dma2 semaphore(%arg15 : memref<!tpu.dma_semaphore, #tpu.memory_space<semaphore_mem>>) src(%dma_wait3A_72 : memref<128x64xbf16, #tpu.memory_space<vmem>>) dst(%dma_wait3A_68 : memref<128x64xbf16, #tpu.memory_space<hbm>>)
    return
  }
}

</mosaic_0001>

<sc_bundles>
// kernel: kernel.4.cloned.1.call-start
scs
__scs_entry_jumppad:
0x0: {  	(pc) =	sbr.rel $0x88, $3  }
0x1: {  	(tag) =	ssettag $0x0;
	lr =	simm.s32 $0x1  }
0x2: {  	[smem:$0x3F9D] =	sst lr;
	_ =	strace $0xD0000000  }
0x3: {  	_ = 	snop  }
0x4: {  	_ = 	snop  }
0x5: {  	_ = 	snop  }
0x6: {  	_ = 	snop  }
0x7: {  	_ = 	snop  }
__scs_overlays_trampoline_lowered:
0x8: {  	[smem:$0x3FAC] =	sst s0  }
0x9: {  	[smem:$0x3FAD] =	sst s1  }
0xa: {  	[smem:$0x3FAE] =	sst s2  }
0xb: {  	[smem:$0x3FAF] =	sst s3  }
0xc: {  	[smem:$0x3FB0] =	sst s4  }
0xd: {  	[smem:$0x3FB1] =	sst s5  }
0xe: {  	[smem:$0x3FB2] =	sst s6  }
0xf: {  	[smem:$0x3FB3] =	sst s7  }
0x10: {  	[smem:$0x3FB4] =	sst s8  }
0x11: {  	[smem:$0x3FB5] =	sst s9;
	s0 =	simm.s32 @!p0 $0x0  }
0x12: {  	s1 =	sld [smem:$0x3F9B];
	s0 =	simm.s32 @p0 $0x1  }
0x13: {  	[smem:$0x3FB6] =	sst s0;
	s0 =	simm.s32 @!p1 $0x0  }
0x14: {  	s2 =	sld [smem:$0x3F9A];
	s0 =	simm.s32 @p1 $0x1  }
0x15: {  	[smem:$0x3FB7] =	sst s0;
	s0 =	simm.s32 @!p2 $0x0  }
0x16: {  	s3 =	sld [smem:$0x3FDB];
	s0 =	simm.s32 @p2 $0x1  }
0x17: {  	s4 =	simm.s32 $0x1BF5;
	[smem:$0x3FB9] =	sst s0  }
0x18: {  	s0 =	sld [smem:$0x3F9C];
	_ =	swait.ge [sflag:s4], $0x0  }
0x19: {  	s7 =	sld [smem:$0x3F9D]  }
0x1a: {  	s8 =	sadd.s32 $0xFFFFE003, lr  }
0x1b: {  	s9 =	sadd.s32 $0xFFFFFEF7, lr;
	s5 =	simm.s32 $0xFFFFFFFF;
	p2 =	slt.u32 s8, $0xFFFFF086  }
0x1c: {  	p1 =	slt.u32 s9, $0xF7A;
	s5 =	simm.s32 @!p2 $0x0  }
0x1d: {  	s5 =	simm.s32 @p1 $0x1;
	p0 =	seq.s32 s7, s2  }
0x1e: {  	s7 =	smul.u32 @!p0 $0xF7A, s2;
	p2 =	seq.s32 @!p0 s5, $0x0  }
0x1f: {  	s9 =	smul.u32 $0xF7A, s1;
	s8 =	simm.s32 @!p0 $0x1BF5;
	p2 =	por !p2, p0  }
0x20: {  	[sflag:s8] =	ssyncset.s32 @!p0 $0xFFFFF086;
	s6 =	sadd.s32 @!p0 s3, s7;
	s7 =	simm.s32 @!p0 $0x108  }
0x21: {  	s3 =	sadd.s32 s3, s9;
	s6 =	sadd.s32 @!p0 $0x88, s6;
	s7 =	simm.s32 @p2 $0x1082  }
0x22: {  	[simem:s7], [sflag:s8] =	dma.local @!p0 [hbm:s6], $0xF7A  }
0x23: {  	s9 =	sor.u32 $0xD0000000, s2;
	s6 =	simm.s32 $0x108;
	_ =	swait.ge @!p0 [sflag:s8], $0x0  }
0x24: {  	s3 =	sadd.s32 $0x88, s3;
	s6 =	simm.s32 @!p1 $0x1082;
	[sflag:s4] =	ssyncset.s32 $0xFFFFF086  }
0x25: {  	[simem:s6], [sflag:s4] =	dma.local [hbm:s3], $0xF7A  }
0x26: {  	[smem:$0x3F9D] =	sst s1;
	(tag) =	ssettag s2;
	_ =	strace s9  }
0x27: {  	s1 =	sld [smem:$0x3FAD]  }
0x28: {  	s2 =	sld [smem:$0x3FAE]  }
0x29: {  	s4 =	sld [smem:$0x3FB0]  }
0x2a: {  	p0 =	seq.s32 s5, $0x0;
	s5 =	sld [smem:$0x3FB1]  }
0x2b: {  	s6 =	sld [smem:$0x3FB2]  }
0x2c: {  	s7 =	sld [smem:$0x3FB3]  }
0x2d: {  	s3 =	simm.s32 $0x108;
	s8 =	sld [smem:$0x3FB4]  }
0x2e: {  	s3 =	simm.s32 @!p0 $0x1082;
	s9 =	sld [smem:$0x3FB5]  }
0x2f: {  	lr =	sadd.s32 s0, s3;
	s0 =	sld [smem:$0x3FAC]  }
0x30: {  	s3 =	sld [smem:$0x3FAF]  }
0x31: {  	[smem:$0x3FB8] =	sst s10  }
0x32: {  	s10 =	sld [smem:$0x3FB6];
	_ =	sdelay $0x3  }
0x33: {  	p0 =	seq.s32 s10, $0x1;
	s10 =	sld [smem:$0x3FB8];
	_ =	sdelay $0x3  }
0x34: {  	[smem:$0x3FB8] =	sst s10  }
0x35: {  	s10 =	sld [smem:$0x3FB7];
	_ =	sdelay $0x3  }
0x36: {  	p1 =	seq.s32 s10, $0x1;
	s10 =	sld [smem:$0x3FB8];
	_ =	sdelay $0x3  }
0x37: {  	[smem:$0x3FB8] =	sst s10  }
0x38: {  	s10 =	sld [smem:$0x3FB9]  }
0x39: {  	_ = 	snop;
	(pc) =	sbr.ind lr, $3  }
0x3a: {  	_ = 	snop  }
0x3b: {  	_ = 	snop  }
0x3c: {  	p2 =	seq.s32 s10, $0x1;
	s10 =	sld [smem:$0x3FB8]  }
0x3d: {  	_ =	shalt  }
0x3e: {  	_ =	shalt  }
0x3f: {  	_ =	shalt  }
0x40: {  	_ =	shalt  }
0x41: {  	_ =	shalt  }
0x42: {  	_ =	shalt  }
0x43: {  	_ =	shalt  }
0x44: {  	_ =	shalt  }
0x45: {  	_ =	shalt  }
0x46: {  	_ =	shalt  }
0x47: {  	_ =	shalt  }
0x48: {  	_ =	shalt  }
0x49: {  	_ =	shalt  }
0x4a: {  	_ =	shalt  }
0x4b: {  	_ =	shalt  }
0x4c: {  	_ =	shalt  }
0x4d: {  	_ =	shalt  }
0x4e: {  	_ =	shalt  }
0x4f: {  	_ =	shalt  }
0x50: {  	_ =	shalt  }
0x51: {  	_ =	shalt  }
0x52: {  	_ =	shalt  }
0x53: {  	_ =	shalt  }
0x54: {  	_ =	shalt  }
0x55: {  	_ =	shalt  }
0x56: {  	_ =	shalt  }
0x57: {  	_ =	shalt  }
0x58: {  	_ =	shalt  }
0x59: {  	_ =	shalt  }
0x5a: {  	_ =	shalt  }
0x5b: {  	_ =	shalt  }
0x5c: {  	_ =	shalt  }
0x5d: {  	_ =	shalt  }
0x5e: {  	_ =	shalt  }
0x5f: {  	_ =	shalt  }
0x60: {  	_ =	shalt  }
0x61: {  	_ =	shalt  }
0x62: {  	_ =	shalt  }
0x63: {  	_ =	shalt  }
0x64: {  	_ =	shalt  }
0x65: {  	_ =	shalt  }
0x66: {  	_ =	shalt  }
0x67: {  	_ =	shalt  }
0x68: {  	_ =	shalt  }
0x69: {  	_ =	shalt  }
0x6a: {  	_ =	shalt  }
0x6b: {  	_ =	shalt  }
0x6c: {  	_ =	shalt  }
0x6d: {  	_ =	shalt  }
0x6e: {  	_ =	shalt  }
0x6f: {  	_ =	shalt  }
0x70: {  	_ =	shalt  }
0x71: {  	_ =	shalt  }
0x72: {  	_ =	shalt  }
0x73: {  	_ =	shalt  }
0x74: {  	_ =	shalt  }
0x75: {  	_ =	shalt  }
0x76: {  	_ =	shalt  }
0x77: {  	_ =	shalt  }
0x78: {  	_ =	shalt  }
0x79: {  	_ =	shalt  }
0x7a: {  	_ =	shalt  }
0x7b: {  	_ =	shalt  }
0x7c: {  	_ =	shalt  }
0x7d: {  	_ =	shalt  }
0x7e: {  	_ =	shalt  }
0x7f: {  	_ =	shalt  }
0x80: {  	_ =	shalt  }
0x81: {  	_ =	shalt  }
0x82: {  	_ =	shalt  }
0x83: {  	_ =	shalt  }
0x84: {  	_ =	shalt  }
0x85: {  	_ =	shalt  }
0x86: {  	_ =	shalt  }
0x87: {  	_ =	shalt  }
.Lfunc_end0:
.L_simem_size_0:
called_computation.2_lowered:
.L_overlay_start_0:
0x88: {  	s2 =	sld [smem:$0x3FD9]  }
0x89: {  	s3 =	sld [smem:$0x3FFE];
	_ =	sdelay $0x1  }
0x8a: {  	s1 =	srdreg.scid  }
0x8b: {  	s0 =	sand.u32 $0x1, s1  }
0x8c: {  	s16 =	sshll.u32 s0, $0xA;
	s2 =	sadd.s32 s3, s2  }
0x8d: {  	s2 =	sadd.s32 s2, s16  }
0x8e: {  	[smem:$0x3FC4] =	sst s2  }
0x8f: {  	_ = 	snop  }
0x90: {  	(tm) =	ssettm $0x1  }
0x91: {  	s17 =	sld [smem:$0x3FFB];
	_ =	sdelay $0x3  }
0x92: {  	_ =	strace s17  }
0x93: {  	s2 =	sld [smem:$0x3FFC];
	_ =	sdelay $0x3  }
0x94: {  	_ =	strace s2  }
0x95: {  	s2 =	sld [smem:$0x3FFD];
	_ =	sdelay $0x3  }
0x96: {  	_ =	strace s2  }
0x97: {  	_ =	strace $0x8FFFFFFF  }
0x98: {  	s18 =	sld [smem:$0x3FDB];
	_ =	sdelay $0x1  }
0x99: {  	s19 =	simm.s32 $_scs_section_size  }
0x9a: {  	s4 =	simm.s32 $_size__tile_overlayer_lowered;
	s5 =	simm.s32 $_tile_overlayer_lowered  }
0x9b: {  	s22 =	simm.s32 $0x1BFF;
	s21 =	sshll.u32 s5, $0x1;
	s2 =	sadd.s32 s19, s18  }
0x9c: {  	s6 =	simm.s32 $0x0;
	s20 =	sshll.u32 s4, $0x1;
	s4 =	sadd.s32 s21, s2  }
0x9d: {  	[timem:s6], [sflag:s22] =	dma.local [hbm:s4], s20  }
0x9e: {  	_ =	swait.ge [sflag:s22], s20  }
0x9f: {  	s3 =	ssub.s32 $0x0, s20;
	[sflag:s22] =	ssyncset.done $0x0  }
0xa0: {  	[sflag:s22] =	ssyncadd.s32 s3;
	_ =	sdelay $0x1  }
0xa1: {  	s23 =	simm.s32 $0x1B8B  }
0xa2: {  	_ =	swait.ge [sflag:s23], $0x1  }
0xa3: {  	[sflag:s23] =	ssyncset.done $0x0  }
0xa4: {  	s25 =	simm.s32 $0x1B8E;
	s24 =	sld [smem:$0x3FFE];
	[sflag:s23] =	ssyncadd.s32 $0xFFFFFFFF  }
0xa5: {  	s26 =	simm.s32 $execute0_lowered;
	[smem:$0x3FD2] =	sst s25  }
0xa6: {  	s4 =	sshll.u32 s26, $0x1;
	_ =	strace $0x80000049;
	[dreg:$0x1] =	wrdreg $0xFFFFFFFF  }
0xa7: {  	s28 =	simm.s32 $_size_execute0_lowered;
	s2 =	sadd.s32 s2, s4;
	[dreg:$0x0] =	wrdreg $0x0  }
0xa8: {  	s4 =	sshll.u32 s28, $0x1;
	[dreg:$0x2] =	wrdreg s2  }
0xa9: {  	[dreg:$0x3] =	wrdreg s4  }
0xaa: {  	[dreg:$0x4] =	wrdreg $0xC0  }
0xab: {  	_ =	task [dreg:s6], $0x5FFFF  }
0xac: {  	[dreg:$0x1] =	wrdreg $0xFFFFFFFF  }
0xad: {  	[dreg:$0x0] =	wrdreg $0x60  }
0xae: {  	[dreg:$0x2] =	wrdreg s24  }
0xaf: {  	[dreg:$0x3] =	wrdreg $0x9  }
0xb0: {  	_ =	task.clear_ibuf [dreg:s6], $0x4FFFF;
	_ =	strace $0x90000049  }
0xb1: {  	s29 =	simm.s32 $0x9;
	_ =	strace $0x8000004B  }
0xb2: {  	_ =	swait.ge [sflag:s29], $0x1  }
0xb3: {  	[sflag:s29] =	ssyncadd.s32 $0xFFFFFFFF  }
0xb4: {  	_ =	strace $0x9000004B  }
0xb5: {  	_ =	sfence  }
0xb6: {  	s30 =	sld [smem:$0x0];
	_ =	sdelay $0x2  }
0xb7: {  	s31 =	sshll.u32 s1, $0xD;
	s1 =	sshrl.u32 s1, $0x2  }
0xb8: {  	s3 =	sand.u32 $0x4000, s31;
	s1 =	sadd.s32 s1, s30  }
0xb9: {  	s0 =	sor.u32 s3, s0;
	s1 =	sshll.u32 s1, $0x11  }
0xba: {  	s0 =	sor.u32 s1, s0  }
0xbb: {  	s0 =	sadd.s32 $0x8F2B, s0  }
0xbc: {  	[sflag:s0] =	ssyncadd.remote.s32 $0x1  }
0xbd: {  	_ =	sfence.sel $0xFFFF  }
0xbe: {  	[dreg:$0x0] =	wrdreg $0xFFFFFFFF;
	(pc) =	sbr.abs _section_cstart, $3  }
0xbf: {  	[dreg:$0x1] =	wrdreg $0xFFFFFFFF  }
0xc0: {  	_ =	task.clear_ibuf [dreg:s6], $0x2FFFF;
	_ =	strace $0x9FFFFFFF  }
0xc1: {  	(tm) =	ssettm $0x7FFFFFFF  }
tec
execute0_lowered:
.L_overlay_start_1:
0x0: {  	(tag) =	ssettag $0x1  }
0x1: {  	s1 =	srdreg.scid;
	s0 =	stileid.u32  }
0x2: {  	s6 =	rddreg [dreg:$0x0];
	s2 =	simm.s32 $0x0;
	s9 =	simm.s32 $0x2  }
0x3: {  	s3 =	sand.u32 $0x1, s1;
	s31 =	sshll.u32 s0, $0x1;
	s1 =	rddreg [dreg:$0x1]  }
0x4: {  	s10 =	simm.s32 $0x0;
	[smem:$0x7FF] =	sst s2;
	s4 =	sor.u32 s3, s31  }
0x5: {  	s7 =	ssub.s32 $0x2, s3;
	_ =	strace $0x8000004A;
	s5 =	smul.u32 $0xF424, s4  }
0x6: {  	s3 =	sadd.s32 $0xC00, s6;
	s8 =	sshrl.u32 s7, $0x1;
	s4 =	smul.u32 $0x7A12, s4  }
0x7: {  	s7 =	ssub.s32 s7, s8;
	s8 =	simm.s32 $0x1;
	s5 =	sadd.s32 s5, s6  }
0x8: {  	s6 =	sadd.s32 $0x1E9BC4, s6;
	s7 =	smax.u32 s7, $0x1;
	s5 =	sadd.s32 $0x1E9200, s5  }
.LBB2_1:
0x9: {  	[tilespmem:s2], [sflag:$0x1] =	stream.linear.gather [hbm4b:s5+s2], $0x4E20, $0x38;
	[tilespmem:$0x13880] =	vst v63  }
0xa: {  	p0 =	por $0x0, $0x0;
	s11 =	simm.s32 $0x0  }
.LBB2_2:
0xb: {  	s13 =	sand.u32 $0x1, s11;
	s12 =	smul.u32 $0x4E2, s11;
	p1 =	seq.s32 s11, $0x18  }
0xc: {  	s14 =	sxor.u32 @!p1 $0x1, s13  }
0xd: {  	_ =	swait.ge [sflag:s8], $0x4E20;
	s12 =	sadd.s32 s4, s12;
	s14 =	smul.u32 @!p1 $0x13880, s14  }
0xe: {  	[sflag:s8] =	ssyncset.done $0x0;
	s16 =	simm.s32 @!p1 $0x0;
	s15 =	sshll.u32 @!p1 s12, $0x1  }
0xf: {  	[sflag:s8] =	ssyncadd.s32 $0xFFFFB1E0;
	s14 =	sshrl.u32 @!p1 s14, $0x2;
	s15 =	sadd.s32 @!p1 s15, s6  }
0x10: {  	[tilespmem:s14], [sflag:$0x1] =	stream.linear.gather @!p1 [hbm4b:s15+s16], $0x4E20, $0x38;
	[tilespmem:$0x13880] =	vst v63  }
0x11: {  	s14 =	simm.s32 $0x1  }
0x12: {  	s14 =	simm.s32 @!p0 $0x0  }
0x13: {  	s14 =	smul.u32 $0x13880, s14;
	_ =	sdelay $0x1  }
0x14: {  	s14 =	sshrl.u32 s14, $0x2  }
0x15: {  	s31 =	sor.u32 $0x10, s14  }
0x16: {  	p2 =	seq.s32 @!p1 s11, $0x0;
	s13 =	smul.u32 $0x13880, s13;
	v1 =	vmov s31  }
0x17: {  	p1 =	por p1, !p2  }
0x18: {  	s11 =	sadd.s32 $0x1, s11;
	s13 =	sshrl.u32 s13, $0x2;
	_ =	swait.ge @p1 [sflag:s9], $0x4E20  }
0x19: {  	s13 =	sadd.s32 $0x9C40, s13;
	[sflag:s9] =	ssyncset.done @p1 $0x0;
	s14 =	sadd.s32 $0x9C40, s14  }
0x1a: {  	s15 =	simm.s32 $0x80;
	[sflag:s9] =	ssyncadd.s32 @p1 $0xFFFFB1E0;
	v0 =	vmov s14;
	s14 =	simm.s32 $0x0  }
.LBB2_3:
0x1b: {  	p1 =	sne.s32 s15, $0x13800;
	v2 =	vld.idx.msk [tilespmem:v1+s14+$0xFFFFFFF0 ss:$0x1], $0xffff;
	_ =	sdelay $0x5  }
0x1c: {  	[tilespmem:v0+s14+$0x0 ss:$0x1] =	vst.idx.msk $0xffff, v2  }
0x1d: {  	v2 =	vld.idx.msk [tilespmem:v1+s14+$0x0 ss:$0x1], $0xffff;
	_ =	sdelay $0x1  }
.Ltmp0:
0x1e: {  	(pc) =	sbr.rel @p1 .LBB2_3-.Ltmp0, $2  }
0x1f: {  	_ =	sdelay $0x2  }
0x20: {  	[tilespmem:v0+s14+$0x10 ss:$0x1] =	vst.idx.msk $0xffff, v2;
	s14 =	sshra.s32 s15, $0x2;
	s15 =	sadd.s32 $0x80, s15  }
0x21: {  	_ =	sdelay $0x3  }
0x22: {  	v2 =	vld.idx.msk [tilespmem:v1+s14+$0xFFFFFFF0 ss:$0x1], $0xffff;
	_ =	sdelay $0x4  }
0x23: {  	[tilespmem:v0+s14+$0x0 ss:$0x1] =	vst.idx.msk $0xffff, v2  }
0x24: {  	v63 =	vld.idx.msk [tilespmem:v1+s14+$0x0 ss:$0x1], $0xffff  }
0x25: {  	p1 =	sne.s32 s11, $0x19  }
.Ltmp1:
0x26: {  	_ = 	snop;
	(pc) =	sbr.rel @p1 .LBB2_2-.Ltmp1, $4  }
0x27: {  	_ = 	snop  }
0x28: {  	s12 =	sshll.u32 s12, $0x1  }
0x29: {  	p0 =	por !p0, !p0;
	s12 =	sadd.s32 s3, s12;
	[tilespmem:v0+s14+$0x10 ss:$0x1] =	vst.idx.msk $0xffff, v63  }
0x2a: {  	[hbm4b:s12+s2] =	stream.linear.scatter [tilespmem:s13], [sflag:$0x2], $0x4E20, $0x38;
	[tilespmem:$0x13880] =	vst v63  }
0x2b: {  	s10 =	sadd.s32 $0x1, s10  }
0x2c: {  	p0 =	sne.s32 s10, s7  }
.Ltmp2:
0x2d: {  	_ = 	snop;
	(pc) =	sbr.rel @p0 .LBB2_1-.Ltmp2, $4  }
0x2e: {  	_ = 	snop  }
0x2f: {  	_ =	swait.ge [sflag:s9], $0x4E20  }
0x30: {  	[sflag:s9] =	ssyncset.done $0x0  }
0x31: {  	[sflag:s9] =	ssyncadd.s32 $0xFFFFB1E0  }
0x32: {  	_ =	sfence.sel $0x180000  }
0x33: {  	[bflag:$0x0] =	sbarrier.arrive $0xFFFF  }
0x34: {  	p0 =	sne.s32 s0, $0x0;
	_ =	strace $0x9000004A  }
0x35: {  	s0 =	sadd.s32 @!p0 $0x100000, s1;
	[bflag:$0x2] =	sbarrier.arrive $0xFFFF  }
0x36: {  	[sflag:s0] =	ssyncadd.tile.s32 @!p0 $0x1;
	_ =	shalt  }
.Lfunc_end2:
_tile_overlayer_lowered:
.L_overlay_start_2:
0x37: {  	(tag) =	ssettag $0x2  }
0x38: {  	s0 =	rddreg [dreg:$0x0];
	s2 =	stileid.u32  }
0x39: {  	s1 =	rddreg [dreg:$0x1];
	p0 =	sne.s32 s2, $0x0  }
0x3a: {  	s3 =	rddreg [dreg:$0x2];
	[bflag:$0x3] =	sbarrier.arrive $0xFFFF;
	s2 =	simm.s32 @!p0 $0x1C03  }
0x3b: {  	[timem:s3], [sflag:s2] =	dma.local @!p0 [hbm:s0], s1  }
0x3c: {  	s0 =	simm.s32 @!p0 $0x3  }
0x3d: {  	_ =	swait.ge @!p0 [sflag:s0], s1  }
0x3e: {  	s1 =	ssub.s32 @!p0 $0x0, s1;
	[sflag:s0] =	ssyncset.done @!p0 $0x0  }
0x3f: {  	[sflag:s0] =	ssyncadd.s32 @!p0 s1  }
0x40: {  	[bflag:$0x3] =	sbarrier.arrive $0xFFFF  }
0x41: {  	_ =	shalt  }

// kernel: kernel.7.cloned.1.call-start
scs
__scs_entry_jumppad:
0x0: {  	(pc) =	sbr.rel $0x88, $3  }
0x1: {  	(tag) =	ssettag $0x0;
	lr =	simm.s32 $0x1  }
0x2: {  	[smem:$0x3F9D] =	sst lr;
	_ =	strace $0xD0000000  }
0x3: {  	_ = 	snop  }
0x4: {  	_ = 	snop  }
0x5: {  	_ = 	snop  }
0x6: {  	_ = 	snop  }
0x7: {  	_ = 	snop  }
__scs_overlays_trampoline_lowered:
0x8: {  	[smem:$0x3FAC] =	sst s0  }
0x9: {  	[smem:$0x3FAD] =	sst s1  }
0xa: {  	[smem:$0x3FAE] =	sst s2  }
0xb: {  	[smem:$0x3FAF] =	sst s3  }
0xc: {  	[smem:$0x3FB0] =	sst s4  }
0xd: {  	[smem:$0x3FB1] =	sst s5  }
0xe: {  	[smem:$0x3FB2] =	sst s6  }
0xf: {  	[smem:$0x3FB3] =	sst s7  }
0x10: {  	[smem:$0x3FB4] =	sst s8  }
0x11: {  	[smem:$0x3FB5] =	sst s9;
	s0 =	simm.s32 @!p0 $0x0  }
0x12: {  	s1 =	sld [smem:$0x3F9B];
	s0 =	simm.s32 @p0 $0x1  }
0x13: {  	[smem:$0x3FB6] =	sst s0;
	s0 =	simm.s32 @!p1 $0x0  }
0x14: {  	s2 =	sld [smem:$0x3F9A];
	s0 =	simm.s32 @p1 $0x1  }
0x15: {  	[smem:$0x3FB7] =	sst s0;
	s0 =	simm.s32 @!p2 $0x0  }
0x16: {  	s3 =	sld [smem:$0x3FDB];
	s0 =	simm.s32 @p2 $0x1  }
0x17: {  	s4 =	simm.s32 $0x1BF5;
	[smem:$0x3FB9] =	sst s0  }
0x18: {  	s0 =	sld [smem:$0x3F9C];
	_ =	swait.ge [sflag:s4], $0x0  }
0x19: {  	s7 =	sld [smem:$0x3F9D]  }
0x1a: {  	s8 =	sadd.s32 $0xFFFFE003, lr  }
0x1b: {  	s9 =	sadd.s32 $0xFFFFFEF7, lr;
	s5 =	simm.s32 $0xFFFFFFFF;
	p2 =	slt.u32 s8, $0xFFFFF086  }
0x1c: {  	p1 =	slt.u32 s9, $0xF7A;
	s5 =	simm.s32 @!p2 $0x0  }
0x1d: {  	s5 =	simm.s32 @p1 $0x1;
	p0 =	seq.s32 s7, s2  }
0x1e: {  	s7 =	smul.u32 @!p0 $0xF7A, s2;
	p2 =	seq.s32 @!p0 s5, $0x0  }
0x1f: {  	s9 =	smul.u32 $0xF7A, s1;
	s8 =	simm.s32 @!p0 $0x1BF5;
	p2 =	por !p2, p0  }
0x20: {  	[sflag:s8] =	ssyncset.s32 @!p0 $0xFFFFF086;
	s6 =	sadd.s32 @!p0 s3, s7;
	s7 =	simm.s32 @!p0 $0x108  }
0x21: {  	s3 =	sadd.s32 s3, s9;
	s6 =	sadd.s32 @!p0 $0x88, s6;
	s7 =	simm.s32 @p2 $0x1082  }
0x22: {  	[simem:s7], [sflag:s8] =	dma.local @!p0 [hbm:s6], $0xF7A  }
0x23: {  	s9 =	sor.u32 $0xD0000000, s2;
	s6 =	simm.s32 $0x108;
	_ =	swait.ge @!p0 [sflag:s8], $0x0  }
0x24: {  	s3 =	sadd.s32 $0x88, s3;
	s6 =	simm.s32 @!p1 $0x1082;
	[sflag:s4] =	ssyncset.s32 $0xFFFFF086  }
0x25: {  	[simem:s6], [sflag:s4] =	dma.local [hbm:s3], $0xF7A  }
0x26: {  	[smem:$0x3F9D] =	sst s1;
	(tag) =	ssettag s2;
	_ =	strace s9  }
0x27: {  	s1 =	sld [smem:$0x3FAD]  }
0x28: {  	s2 =	sld [smem:$0x3FAE]  }
0x29: {  	s4 =	sld [smem:$0x3FB0]  }
0x2a: {  	p0 =	seq.s32 s5, $0x0;
	s5 =	sld [smem:$0x3FB1]  }
0x2b: {  	s6 =	sld [smem:$0x3FB2]  }
0x2c: {  	s7 =	sld [smem:$0x3FB3]  }
0x2d: {  	s3 =	simm.s32 $0x108;
	s8 =	sld [smem:$0x3FB4]  }
0x2e: {  	s3 =	simm.s32 @!p0 $0x1082;
	s9 =	sld [smem:$0x3FB5]  }
0x2f: {  	lr =	sadd.s32 s0, s3;
	s0 =	sld [smem:$0x3FAC]  }
0x30: {  	s3 =	sld [smem:$0x3FAF]  }
0x31: {  	[smem:$0x3FB8] =	sst s10  }
0x32: {  	s10 =	sld [smem:$0x3FB6];
	_ =	sdelay $0x3  }
0x33: {  	p0 =	seq.s32 s10, $0x1;
	s10 =	sld [smem:$0x3FB8];
	_ =	sdelay $0x3  }
0x34: {  	[smem:$0x3FB8] =	sst s10  }
0x35: {  	s10 =	sld [smem:$0x3FB7];
	_ =	sdelay $0x3  }
0x36: {  	p1 =	seq.s32 s10, $0x1;
	s10 =	sld [smem:$0x3FB8];
	_ =	sdelay $0x3  }
0x37: {  	[smem:$0x3FB8] =	sst s10  }
0x38: {  	s10 =	sld [smem:$0x3FB9]  }
0x39: {  	_ = 	snop;
	(pc) =	sbr.ind lr, $3  }
0x3a: {  	_ = 	snop  }
0x3b: {  	_ = 	snop  }
0x3c: {  	p2 =	seq.s32 s10, $0x1;
	s10 =	sld [smem:$0x3FB8]  }
0x3d: {  	_ =	shalt  }
0x3e: {  	_ =	shalt  }
0x3f: {  	_ =	shalt  }
0x40: {  	_ =	shalt  }
0x41: {  	_ =	shalt  }
0x42: {  	_ =	shalt  }
0x43: {  	_ =	shalt  }
0x44: {  	_ =	shalt  }
0x45: {  	_ =	shalt  }
0x46: {  	_ =	shalt  }
0x47: {  	_ =	shalt  }
0x48: {  	_ =	shalt  }
0x49: {  	_ =	shalt  }
0x4a: {  	_ =	shalt  }
0x4b: {  	_ =	shalt  }
0x4c: {  	_ =	shalt  }
0x4d: {  	_ =	shalt  }
0x4e: {  	_ =	shalt  }
0x4f: {  	_ =	shalt  }
0x50: {  	_ =	shalt  }
0x51: {  	_ =	shalt  }
0x52: {  	_ =	shalt  }
0x53: {  	_ =	shalt  }
0x54: {  	_ =	shalt  }
0x55: {  	_ =	shalt  }
0x56: {  	_ =	shalt  }
0x57: {  	_ =	shalt  }
0x58: {  	_ =	shalt  }
0x59: {  	_ =	shalt  }
0x5a: {  	_ =	shalt  }
0x5b: {  	_ =	shalt  }
0x5c: {  	_ =	shalt  }
0x5d: {  	_ =	shalt  }
0x5e: {  	_ =	shalt  }
0x5f: {  	_ =	shalt  }
0x60: {  	_ =	shalt  }
0x61: {  	_ =	shalt  }
0x62: {  	_ =	shalt  }
0x63: {  	_ =	shalt  }
0x64: {  	_ =	shalt  }
0x65: {  	_ =	shalt  }
0x66: {  	_ =	shalt  }
0x67: {  	_ =	shalt  }
0x68: {  	_ =	shalt  }
0x69: {  	_ =	shalt  }
0x6a: {  	_ =	shalt  }
0x6b: {  	_ =	shalt  }
0x6c: {  	_ =	shalt  }
0x6d: {  	_ =	shalt  }
0x6e: {  	_ =	shalt  }
0x6f: {  	_ =	shalt  }
0x70: {  	_ =	shalt  }
0x71: {  	_ =	shalt  }
0x72: {  	_ =	shalt  }
0x73: {  	_ =	shalt  }
0x74: {  	_ =	shalt  }
0x75: {  	_ =	shalt  }
0x76: {  	_ =	shalt  }
0x77: {  	_ =	shalt  }
0x78: {  	_ =	shalt  }
0x79: {  	_ =	shalt  }
0x7a: {  	_ =	shalt  }
0x7b: {  	_ =	shalt  }
0x7c: {  	_ =	shalt  }
0x7d: {  	_ =	shalt  }
0x7e: {  	_ =	shalt  }
0x7f: {  	_ =	shalt  }
0x80: {  	_ =	shalt  }
0x81: {  	_ =	shalt  }
0x82: {  	_ =	shalt  }
0x83: {  	_ =	shalt  }
0x84: {  	_ =	shalt  }
0x85: {  	_ =	shalt  }
0x86: {  	_ =	shalt  }
0x87: {  	_ =	shalt  }
.Lfunc_end0:
.L_simem_size_0:
called_computation.3_lowered:
.L_overlay_start_0:
0x88: {  	s2 =	sld [smem:$0x3FD9]  }
0x89: {  	s3 =	sld [smem:$0x3FFE];
	_ =	sdelay $0x1  }
0x8a: {  	s1 =	srdreg.scid  }
0x8b: {  	s0 =	sand.u32 $0x1, s1  }
0x8c: {  	s17 =	sshll.u32 s0, $0xA;
	s2 =	sadd.s32 s3, s2  }
0x8d: {  	s2 =	sadd.s32 s2, s17  }
0x8e: {  	[smem:$0x3FC4] =	sst s2  }
0x8f: {  	_ = 	snop  }
0x90: {  	s2 =	sld [smem:$0x3FD0];
	(tm) =	ssettm $0x1  }
0x91: {  	s18 =	sld [smem:$0x3FFB];
	_ =	sdelay $0x3  }
0x92: {  	_ =	strace s18  }
0x93: {  	s3 =	sld [smem:$0x3FFC];
	_ =	sdelay $0x3  }
0x94: {  	_ =	strace s3  }
0x95: {  	s3 =	sld [smem:$0x3FFD];
	_ =	sdelay $0x3  }
0x96: {  	_ =	strace s3  }
0x97: {  	_ =	strace $0x8FFFFFFF  }
0x98: {  	s19 =	sld [smem:$0x3FDB];
	_ =	sdelay $0x1  }
0x99: {  	s4 =	simm.s32 $_scs_section_size  }
0x9a: {  	s5 =	simm.s32 $_size__tile_overlayer_lowered;
	s6 =	simm.s32 $_tile_overlayer_lowered  }
0x9b: {  	s22 =	simm.s32 $0x1BFF;
	s21 =	sshll.u32 s6, $0x1;
	s3 =	sadd.s32 s4, s19  }
0x9c: {  	s7 =	simm.s32 $0x0;
	s20 =	sshll.u32 s5, $0x1;
	s5 =	sadd.s32 s21, s3  }
0x9d: {  	[timem:s7], [sflag:s22] =	dma.local [hbm:s5], s20  }
0x9e: {  	_ =	swait.ge [sflag:s22], s20  }
0x9f: {  	s4 =	ssub.s32 $0x0, s20;
	[sflag:s22] =	ssyncset.done $0x0  }
0xa0: {  	[sflag:s22] =	ssyncadd.s32 s4;
	_ =	sdelay $0x1  }
0xa1: {  	s23 =	simm.s32 $0x1B8B  }
0xa2: {  	_ =	swait.ge [sflag:s23], $0x1  }
0xa3: {  	[sflag:s23] =	ssyncset.done $0x0  }
0xa4: {  	s25 =	simm.s32 $0x1B8E;
	s24 =	sld [smem:$0x3FFE];
	[sflag:s23] =	ssyncadd.s32 $0xFFFFFFFF  }
0xa5: {  	s26 =	simm.s32 $execute0_lowered;
	[smem:$0x3FD2] =	sst s25  }
0xa6: {  	s5 =	sshll.u32 s26, $0x1;
	_ =	strace $0x8000004C;
	[dreg:$0x1] =	wrdreg $0xFFFFFFFF  }
0xa7: {  	s28 =	simm.s32 $_size_execute0_lowered;
	s3 =	sadd.s32 s3, s5;
	[dreg:$0x0] =	wrdreg $0x0  }
0xa8: {  	s5 =	sshll.u32 s28, $0x1;
	[dreg:$0x2] =	wrdreg s3  }
0xa9: {  	[dreg:$0x3] =	wrdreg s5  }
0xaa: {  	[dreg:$0x4] =	wrdreg $0xC0  }
0xab: {  	_ =	task [dreg:s7], $0x5FFFF  }
0xac: {  	[dreg:$0x1] =	wrdreg $0xFFFFFFFF  }
0xad: {  	[dreg:$0x0] =	wrdreg $0x60  }
0xae: {  	[dreg:$0x2] =	wrdreg s24  }
0xaf: {  	[dreg:$0x3] =	wrdreg s2  }
0xb0: {  	[dreg:$0x4] =	wrdreg $0x9  }
0xb1: {  	_ =	task.clear_ibuf [dreg:s7], $0x5FFFF;
	_ =	strace $0x9000004C  }
0xb2: {  	s29 =	simm.s32 $0x9;
	_ =	strace $0x8000004E  }
0xb3: {  	_ =	swait.ge [sflag:s29], $0x1  }
0xb4: {  	[sflag:s29] =	ssyncadd.s32 $0xFFFFFFFF  }
0xb5: {  	_ =	strace $0x9000004E  }
0xb6: {  	_ =	sfence  }
0xb7: {  	s30 =	sld [smem:$0x0];
	_ =	sdelay $0x2  }
0xb8: {  	s31 =	sshll.u32 s1, $0xD;
	s1 =	sshrl.u32 s1, $0x2  }
0xb9: {  	s3 =	sand.u32 $0x4000, s31;
	s1 =	sadd.s32 s1, s30  }
0xba: {  	s0 =	sor.u32 s3, s0;
	s1 =	sshll.u32 s1, $0x11  }
0xbb: {  	s0 =	sor.u32 s1, s0  }
0xbc: {  	s0 =	sadd.s32 $0x8F2B, s0  }
0xbd: {  	[sflag:s0] =	ssyncadd.remote.s32 $0x1  }
0xbe: {  	_ =	sfence.sel $0xFFFF  }
0xbf: {  	[dreg:$0x0] =	wrdreg $0xFFFFFFFF;
	(pc) =	sbr.abs _section_cstart, $3  }
0xc0: {  	[dreg:$0x1] =	wrdreg $0xFFFFFFFF  }
0xc1: {  	_ =	task.clear_ibuf [dreg:s7], $0x2FFFF;
	_ =	strace $0x9FFFFFFF  }
0xc2: {  	(tm) =	ssettm $0x7FFFFFFF  }
0xc3: {  	_ =	shalt  }
tec
execute0_lowered:
.L_overlay_start_1:
0x0: {  	(tag) =	ssettag $0x1  }
0x1: {  	s8 =	rddreg [dreg:$0x0]  }
0x2: {  	s2 =	rddreg [dreg:$0x1]  }
0x3: {  	s0 =	rddreg [dreg:$0x2];
	s4 =	srdreg.scid  }
0x4: {  	s1 =	stileid.u32;
	s3 =	simm.s32 $0x0;
	s11 =	simm.s32 $0x1  }
0x5: {  	s12 =	simm.s32 $0x80;
	s13 =	simm.s32 $0x100;
	s14 =	simm.s32 $0x1100  }
0x6: {  	s15 =	simm.s32 $0x1200;
	s16 =	simm.s32 $0x2;
	s17 =	simm.s32 $0x1300  }
0x7: {  	s18 =	simm.s32 $0x3;
	s4 =	sand.u32 $0x1, s4;
	s5 =	sshll.u32 s1, $0x1  }
0x8: {  	v0 =	vlaneseq.u32;
	s19 =	simm.s32 $0x0;
	[smem:$0x7FF] =	sst s3;
	s5 =	sor.u32 s4, s5  }
0x9: {  	s6 =	sadd.s32 $0xC00, s8;
	v1 =	vand.u32 $0x3, v0;
	s9 =	ssub.s32 $0x2, s4;
	s4 =	smul.u32 $0x2800, s5  }
0xa: {  	s7 =	sadd.s32 $0x3DB800, s8;
	v0 =	vmul.u32 $0x2, v0;
	_ =	strace $0x8000004D;
	v1 =	vmul.u32 $0x2, v1;
	s10 =	sshrl.u32 s9, $0x1  }
0xb: {  	s5 =	sadd.s32 $0x3D1800, s8;
	s10 =	ssub.s32 s9, s10;
	s31 =	sshrl.u32 s4, $0x3  }
0xc: {  	s8 =	sadd.s32 $0x1E9200, s8;
	v2 =	vor.u32 $0x1, v0;
	v1 =	vor.u32 $0xFFFFFFF8, v1;
	s10 =	smax.u32 s10, $0x1;
	s9 =	sadd.s32 s5, s31  }
.LBB2_1:
0xd: {  	[tilespmem:s3], [sflag:$0x1] =	stream.linear.gather [hbm4b:s9+s3], $0x80, $0x38;
	[tilespmem:$0x4300] =	vst v63  }
0xe: {  	_ =	swait.ge [sflag:s11], $0x80  }
0xf: {  	[sflag:s11] =	ssyncset.done $0x0  }
0x10: {  	[sflag:s11] =	ssyncadd.s32 $0xFFFFFF80  }
0x11: {  	[tilespmem:s13], [sflag:$0x2] =	stream.indirect.gather [hbm4b:s6+s12], $0x10, s3, s12, $0xb8;
	[tilespmem:$0x4300] =	vst v63  }
0x12: {  	_ = 	snop  }
0x13: {  	[tilespmem:s14], [sflag:$0x2] =	stream.indirect.gather [hbm4b:s2+s12], $0x1, s3, s12, $0xb8;
	[tilespmem:$0x4300] =	vst v63  }
0x14: {  	p0 =	por $0x0, $0x0;
	s20 =	simm.s32 $0x0  }
0x15: {  	[tilespmem:s15], [sflag:$0x2] =	stream.indirect.gather [hbm4b:s7+s12], $0x1, s3, s12, $0xb8;
	[tilespmem:$0x4300] =	vst v63  }
.LBB2_2:
0x16: {  	_ =	swait.ge [sflag:s16], $0x800  }
0x17: {  	[sflag:s16] =	ssyncset.done $0x0  }
0x18: {  	[sflag:s16] =	ssyncadd.s32 $0xFFFFF800  }
0x19: {  	_ =	swait.ge [sflag:s16], $0x80  }
0x1a: {  	s21 =	sshll.u32 s20, $0x7;
	p1 =	seq.s32 s20, $0x4F;
	[sflag:s16] =	ssyncset.done $0x0  }
0x1b: {  	s22 =	sand.u32 $0x1, s20;
	s21 =	sadd.s32 s4, s21;
	[sflag:s16] =	ssyncadd.s32 $0xFFFFFF80  }
0x1c: {  	s24 =	sxor.u32 @!p1 $0x1, s22;
	s23 =	sshrl.u32 @!p1 s21, $0x3;
	_ =	swait.ge [sflag:s16], $0x80  }
0x1d: {  	s26 =	simm.s32 @!p1 $0x0;
	s23 =	sadd.s32 @!p1 s5, s23;
	[sflag:s16] =	ssyncset.done $0x0  }
0x1e: {  	s25 =	sshll.u32 @!p1 s24, $0x7;
	s23 =	sadd.s32 @!p1 $0x10, s23;
	[sflag:s16] =	ssyncadd.s32 $0xFFFFFF80  }
0x1f: {  	[tilespmem:s25], [sflag:$0x1] =	stream.linear.gather @!p1 [hbm4b:s23+s26], $0x80, $0x38;
	[tilespmem:$0x4300] =	vst v63  }
0x20: {  	s23 =	simm.s32 @!p1 $0x1  }
0x21: {  	_ =	swait.ge @!p1 [sflag:s23], $0x80  }
0x22: {  	s24 =	sshll.u32 @!p1 s24, $0xB;
	[sflag:s23] =	ssyncset.done @!p1 $0x0  }
0x23: {  	[sflag:s23] =	ssyncadd.s32 @!p1 $0xFFFFFF80;
	s23 =	sor.u32 @!p1 $0x100, s24;
	s24 =	simm.s32 @!p1 $0x80  }
0x24: {  	[tilespmem:s23], [sflag:$0x2] =	stream.indirect.gather @!p1 [hbm4b:s6+s24], $0x10, s25, s24, $0xb8;
	[tilespmem:$0x4300] =	vst v63  }
0x25: {  	s23 =	sor.u32 @!p1 $0x1100, s25  }
0x26: {  	[tilespmem:s23], [sflag:$0x2] =	stream.indirect.gather @!p1 [hbm4b:s2+s24], $0x1, s25, s24, $0xb8;
	[tilespmem:$0x4300] =	vst v63  }
0x27: {  	p2 =	seq.s32 @!p1 s20, $0x0;
	s23 =	sor.u32 @!p1 $0x1200, s25  }
0x28: {  	[tilespmem:s23], [sflag:$0x2] =	stream.indirect.gather @!p1 [hbm4b:s7+s24], $0x1, s25, s24, $0xb8;
	[tilespmem:$0x4300] =	vst v63  }
0x29: {  	p1 =	por p1, !p2;
	s23 =	simm.s32 $0x1  }
0x2a: {  	_ =	swait.ge @p1 [sflag:s18], $0x1000;
	s23 =	simm.s32 @!p0 $0x0  }
0x2b: {  	s24 =	simm.s32 $0x0;
	[sflag:s18] =	ssyncset.done @p1 $0x0;
	s30 =	sshll.u32 s23, $0xB  }
0x2c: {  	v3 =	vmov s24;
	[sflag:s18] =	ssyncadd.s32 @p1 $0xFFFFF000;
	s29 =	sor.u32 $0x100, s30  }
0x2d: {  	v4 =	vld [tilespmem:s29+$0x0];
	_ =	sdelay $0x1  }
0x2e: {  	s31 =	sshll.u32 s22, $0x7  }
0x2f: {  	s26 =	sor.u32 $0x1200, s31  }
0x30: {  	v5 =	vld.idx.msk [tilespmem:v3+s26+$0x0], $0xffff  }
0x31: {  	s25 =	sor.u32 $0x1100, s31;
	v6 =	vshll.u32 v4, $0x18;
	v7 =	vshll.u32 v4, $0x10;
	v8 =	vshll.u32 v4, $0x8  }
0x32: {  	v3 =	vld.idx.msk [tilespmem:v3+s25+$0x0], $0xffff;
	v4 =	vshra.s32 v4, $0x18;
	v6 =	vshra.s32 v6, $0x18;
	v7 =	vshra.s32 v7, $0x18  }
0x33: {  	v8 =	vshra.s32 v8, $0x18;
	v6 =	vcvt.s32.f32 v6;
	v7 =	vcvt.s32.f32 v7  }
0x34: {  	v9 =	vor.u32 s24, v0;
	v4 =	vcvt.s32.f32 v4;
	v8 =	vcvt.s32.f32 v8  }
0x35: {  	v9 =	vand.u32 v1, v9;
	v6 =	vadd.f32 v6, v5;
	v7 =	vadd.f32 v7, v5  }
0x36: {  	v4 =	vadd.f32 v4, v5;
	v8 =	vadd.f32 v8, v5;
	v5 =	vor.u32 s24, v2  }
0x37: {  	v6 =	vmul.f32 v6, v3;
	v7 =	vmul.f32 v7, v3  }
0x38: {  	v8 =	vmul.f32 v8, v3;
	v3 =	vmul.f32 v4, v3  }
0x39: {  	s28 =	simm.s32 $0x1;
	v4 =	vpack.i.f32.bf16 v7, v6  }
0x3a: {  	s20 =	sadd.s32 $0x1, s20;
	s23 =	sshll.u32 s23, $0xC;
	v63 =	vpack.i.f32.bf16 v3, v8;
	v3 =	vmov s28;
	[tilespmem:v9+s17+$0x0] =	vst.idx.msk $0xffff, v4  }
0x3b: {  	s23 =	sor.u32 $0x2300, s23;
	s29 =	sadd.s32 $0x10, s29;
	s28 =	simm.s32 $0x2;
	[tilespmem:v5+s17+$0x0] =	vst.idx.msk $0xffff, v63  }
.LBB2_3:
0x3c: {  	p1 =	sne.s32 s28, $0x7F;
	v4 =	vld [tilespmem:s29+$0x0];
	_ =	sdelay $0x2  }
0x3d: {  	v5 =	vld.idx.msk [tilespmem:v3+s26+$0x0], $0xffff;
	_ =	sdelay $0x1  }
0x3e: {  	v3 =	vld.idx.msk [tilespmem:v3+s25+$0x0], $0xffff;
	v6 =	vshll.u32 v4, $0x18;
	v7 =	vshll.u32 v4, $0x10;
	v8 =	vshll.u32 v4, $0x8  }
0x3f: {  	v4 =	vshra.s32 v4, $0x18;
	v6 =	vshra.s32 v6, $0x18;
	v7 =	vshra.s32 v7, $0x18  }
0x40: {  	s24 =	sadd.s32 $0x20, s24;
	v8 =	vshra.s32 v8, $0x18;
	v6 =	vcvt.s32.f32 v6;
	v7 =	vcvt.s32.f32 v7  }
0x41: {  	v9 =	vor.u32 s24, v0;
	v4 =	vcvt.s32.f32 v4;
	v8 =	vcvt.s32.f32 v8  }
0x42: {  	v9 =	vand.u32 v1, v9;
	v6 =	vadd.f32 v6, v5;
	v7 =	vadd.f32 v7, v5  }
0x43: {  	v4 =	vadd.f32 v4, v5;
	v8 =	vadd.f32 v8, v5;
	v5 =	vor.u32 s24, v2  }
.Ltmp0:
0x44: {  	v6 =	vmul.f32 v6, v3;
	v7 =	vmul.f32 v7, v3;
	(pc) =	sbr.rel @p1 .LBB2_3-.Ltmp0, $4  }
0x45: {  	v4 =	vmul.f32 v4, v3;
	v8 =	vmul.f32 v8, v3  }
0x46: {  	v6 =	vpack.i.f32.bf16 v7, v6  }
0x47: {  	v3 =	vmov s28;
	v4 =	vpack.i.f32.bf16 v4, v8;
	[tilespmem:v9+s17+$0x0] =	vst.idx.msk $0xffff, v6  }
0x48: {  	s29 =	sadd.s32 $0x10, s29;
	s28 =	sadd.s32 $0x1, s28;
	[tilespmem:v5+s17+$0x0] =	vst.idx.msk $0xffff, v4  }
0x49: {  	v4 =	vld [tilespmem:s29+$0x0];
	_ =	sdelay $0x3  }
0x4a: {  	v5 =	vld.idx.msk [tilespmem:v3+s26+$0x0], $0xffff  }
0x4b: {  	v6 =	vshll.u32 v4, $0x18;
	v7 =	vshll.u32 v4, $0x10;
	v8 =	vshll.u32 v4, $0x8  }
0x4c: {  	v3 =	vld.idx.msk [tilespmem:v3+s25+$0x0], $0xffff;
	v4 =	vshra.s32 v4, $0x18;
	v6 =	vshra.s32 v6, $0x18;
	v7 =	vshra.s32 v7, $0x18  }
0x4d: {  	s24 =	sadd.s32 $0x20, s24;
	v8 =	vshra.s32 v8, $0x18;
	v6 =	vcvt.s32.f32 v6;
	v7 =	vcvt.s32.f32 v7  }
0x4e: {  	v9 =	vor.u32 s24, v0;
	v4 =	vcvt.s32.f32 v4;
	v8 =	vcvt.s32.f32 v8  }
0x4f: {  	v9 =	vand.u32 v1, v9;
	v6 =	vadd.f32 v6, v5;
	v7 =	vadd.f32 v7, v5  }
0x50: {  	v62 =	vor.u32 s24, v2;
	v4 =	vadd.f32 v4, v5;
	v8 =	vadd.f32 v8, v5  }
0x51: {  	v6 =	vmul.f32 v6, v3;
	v7 =	vmul.f32 v7, v3  }
0x52: {  	v8 =	vmul.f32 v8, v3;
	v3 =	vmul.f32 v4, v3  }
0x53: {  	v63 =	vpack.i.f32.bf16 v7, v6  }
0x54: {  	v3 =	vpack.i.f32.bf16 v3, v8;
	[tilespmem:v9+s17+$0x0] =	vst.idx.msk $0xffff, v63  }
0x55: {  	s25 =	simm.s32 $0x100;
	s24 =	simm.s32 $0x0;
	[tilespmem:v62+s17+$0x0] =	vst.idx.msk $0xffff, v3  }
.LBB2_5:
0x56: {  	p1 =	sne.s32 s25, $0x3F00;
	v3 =	vld [tilespmem:s24+$0x1300];
	_ =	sdelay $0x3  }
0x57: {  	s26 =	sadd.s32 s24, s23  }
0x58: {  	[tilespmem:s26+$0x0] =	vst v3  }
0x59: {  	v3 =	vld [tilespmem:s24+$0x1310];
	_ =	sdelay $0x4  }
0x5a: {  	[tilespmem:s26+$0x10] =	vst v3  }
0x5b: {  	v3 =	vld [tilespmem:s24+$0x1320];
	_ =	sdelay $0x4  }
0x5c: {  	[tilespmem:s26+$0x20] =	vst v3  }
0x5d: {  	v3 =	vld [tilespmem:s24+$0x1330]  }
.Ltmp1:
0x5e: {  	(pc) =	sbr.rel @p1 .LBB2_5-.Ltmp1, $2  }
0x5f: {  	_ =	sdelay $0x2  }
0x60: {  	s24 =	sshra.s32 s25, $0x2;
	s25 =	sadd.s32 $0x100, s25;
	[tilespmem:s26+$0x30] =	vst v3  }
0x61: {  	v3 =	vld [tilespmem:s24+$0x1300];
	_ =	sdelay $0x3  }
0x62: {  	s23 =	sadd.s32 s24, s23  }
0x63: {  	[tilespmem:s23+$0x0] =	vst v3  }
0x64: {  	v3 =	vld [tilespmem:s24+$0x1310];
	_ =	sdelay $0x4  }
0x65: {  	[tilespmem:s23+$0x10] =	vst v3  }
0x66: {  	v3 =	vld [tilespmem:s24+$0x1320];
	_ =	sdelay $0x4  }
0x67: {  	[tilespmem:s23+$0x20] =	vst v3  }
0x68: {  	v3 =	vld [tilespmem:s24+$0x1330]  }
0x69: {  	p1 =	sne.s32 s20, $0x50  }
.Ltmp2:
0x6a: {  	_ = 	snop;
	(pc) =	sbr.rel @p1 .LBB2_2-.Ltmp2, $4  }
0x6b: {  	_ = 	snop  }
0x6c: {  	s21 =	sshll.u32 s21, $0x2;
	s22 =	sshll.u32 s22, $0xC  }
0x6d: {  	p0 =	por !p0, !p0;
	s21 =	sadd.s32 s8, s21;
	s22 =	sor.u32 $0x2300, s22;
	[tilespmem:s23+$0x30] =	vst v3  }
0x6e: {  	[hbm4b:s21+s3] =	stream.linear.scatter [tilespmem:s22], [sflag:$0x3], $0x1000, $0x38;
	[tilespmem:$0x4300] =	vst v63  }
0x6f: {  	s19 =	sadd.s32 $0x1, s19  }
0x70: {  	p0 =	sne.s32 s19, s10  }
.Ltmp3:
0x71: {  	_ = 	snop;
	(pc) =	sbr.rel @p0 .LBB2_1-.Ltmp3, $4  }
0x72: {  	_ = 	snop  }
0x73: {  	_ =	swait.ge [sflag:s18], $0x1000  }
0x74: {  	[sflag:s18] =	ssyncset.done $0x0  }
0x75: {  	[sflag:s18] =	ssyncadd.s32 $0xFFFFF000  }
0x76: {  	_ =	sfence.sel $0x180000  }
0x77: {  	[bflag:$0x0] =	sbarrier.arrive $0xFFFF  }
0x78: {  	p0 =	sne.s32 s1, $0x0;
	_ =	strace $0x9000004D  }
0x79: {  	s0 =	sadd.s32 @!p0 $0x100000, s0;
	[bflag:$0x2] =	sbarrier.arrive $0xFFFF  }
0x7a: {  	[sflag:s0] =	ssyncadd.tile.s32 @!p0 $0x1;
	_ =	shalt  }
.Lfunc_end2:
_tile_overlayer_lowered:
.L_overlay_start_2:
0x7b: {  	(tag) =	ssettag $0x2  }
0x7c: {  	s0 =	rddreg [dreg:$0x0];
	s2 =	stileid.u32  }
0x7d: {  	s1 =	rddreg [dreg:$0x1];
	p0 =	sne.s32 s2, $0x0  }
0x7e: {  	s3 =	rddreg [dreg:$0x2];
	[bflag:$0x3] =	sbarrier.arrive $0xFFFF;
	s2 =	simm.s32 @!p0 $0x1C04  }
0x7f: {  	[timem:s3], [sflag:s2] =	dma.local @!p0 [hbm:s0], s1  }
0x80: {  	s0 =	simm.s32 @!p0 $0x4  }
0x81: {  	_ =	swait.ge @!p0 [sflag:s0], s1  }
0x82: {  	s1 =	ssub.s32 @!p0 $0x0, s1;
	[sflag:s0] =	ssyncset.done @!p0 $0x0  }
0x83: {  	[sflag:s0] =	ssyncadd.s32 @!p0 s1  }
0x84: {  	[bflag:$0x3] =	sbarrier.arrive $0xFFFF  }
0x85: {  	_ =	shalt  }

// kernel: sparse-core-data-format-call.1.cloned.1.call-start
scs
called_computation.1_lowered:
.L_overlay_start_0:
0x0: {  	s1 =	sld [smem:$0x3FD9]  }
0x1: {  	s2 =	sld [smem:$0x3FFE];
	_ =	sdelay $0x1  }
0x2: {  	s3 =	srdreg.scid  }
0x3: {  	s0 =	sand.u32 $0x1, s3  }
0x4: {  	s17 =	sshll.u32 s0, $0xA;
	s1 =	sadd.s32 s2, s1  }
0x5: {  	s1 =	sadd.s32 s1, s17  }
0x6: {  	[smem:$0x3FC4] =	sst s1  }
0x7: {  	_ = 	snop  }
0x8: {  	(tm) =	ssettm $0x1  }
0x9: {  	s18 =	sld [smem:$0x3FFB];
	_ =	sdelay $0x3  }
0xa: {  	_ =	strace s18  }
0xb: {  	s1 =	sld [smem:$0x3FFC];
	_ =	sdelay $0x3  }
0xc: {  	_ =	strace s1  }
0xd: {  	s1 =	sld [smem:$0x3FFD];
	_ =	sdelay $0x3  }
0xe: {  	_ =	strace s1  }
0xf: {  	_ =	strace $0x8FFFFFFF  }
0x10: {  	s19 =	sld [smem:$0x3FDB];
	_ =	sdelay $0x1  }
0x11: {  	s20 =	simm.s32 $_scs_section_size  }
0x12: {  	s4 =	simm.s32 $_size__tile_overlayer_lowered;
	s5 =	simm.s32 $_tile_overlayer_lowered  }
0x13: {  	s23 =	simm.s32 $0x1BFF;
	s22 =	sshll.u32 s5, $0x1;
	s1 =	sadd.s32 s20, s19  }
0x14: {  	s6 =	simm.s32 $0x0;
	s21 =	sshll.u32 s4, $0x1;
	s4 =	sadd.s32 s22, s1  }
0x15: {  	[timem:s6], [sflag:s23] =	dma.local [hbm:s4], s21  }
0x16: {  	_ =	swait.ge [sflag:s23], s21  }
0x17: {  	s2 =	ssub.s32 $0x0, s21;
	[sflag:s23] =	ssyncset.done $0x0  }
0x18: {  	[sflag:s23] =	ssyncadd.s32 s2;
	_ =	sdelay $0x1  }
0x19: {  	s24 =	simm.s32 $0x1B8B  }
0x1a: {  	_ =	swait.ge [sflag:s24], $0x1  }
0x1b: {  	[sflag:s24] =	ssyncset.done $0x0  }
0x1c: {  	s26 =	simm.s32 $0x1B8E;
	s25 =	sld [smem:$0x3FFE];
	[sflag:s24] =	ssyncadd.s32 $0xFFFFFFFF  }
0x1d: {  	s27 =	simm.s32 $execute0_lowered;
	[smem:$0x3FD2] =	sst s26  }
0x1e: {  	s4 =	sshll.u32 s27, $0x1;
	_ =	strace $0x80000046;
	[dreg:$0x1] =	wrdreg $0xFFFFFFFF  }
0x1f: {  	s28 =	simm.s32 $_size_execute0_lowered;
	s1 =	sadd.s32 s1, s4;
	[dreg:$0x0] =	wrdreg $0x0  }
0x20: {  	s4 =	sshll.u32 s28, $0x1;
	[dreg:$0x2] =	wrdreg s1  }
0x21: {  	[dreg:$0x3] =	wrdreg s4  }
0x22: {  	[dreg:$0x4] =	wrdreg $0xC0  }
0x23: {  	_ =	task [dreg:s6], $0x5FFFF  }
0x24: {  	[dreg:$0x1] =	wrdreg $0xFFFFFFFF  }
0x25: {  	[dreg:$0x0] =	wrdreg $0x60  }
0x26: {  	[dreg:$0x2] =	wrdreg s25  }
0x27: {  	[dreg:$0x3] =	wrdreg $0x9  }
0x28: {  	_ =	task.clear_ibuf [dreg:s6], $0x4FFFF;
	_ =	strace $0x90000046  }
0x29: {  	s29 =	simm.s32 $0x9;
	_ =	strace $0x80000048  }
0x2a: {  	_ =	swait.ge [sflag:s29], $0x1  }
0x2b: {  	[sflag:s29] =	ssyncadd.s32 $0xFFFFFFFF  }
0x2c: {  	_ =	strace $0x90000048  }
0x2d: {  	_ =	sfence  }
0x2e: {  	s30 =	sld [smem:$0x0];
	_ =	sdelay $0x2  }
0x2f: {  	s31 =	sshll.u32 s3, $0xD;
	s3 =	sshrl.u32 s3, $0x2  }
0x30: {  	s2 =	sand.u32 $0x4000, s31;
	s1 =	sadd.s32 s3, s30  }
0x31: {  	s0 =	sor.u32 s2, s0;
	s1 =	sshll.u32 s1, $0x11  }
0x32: {  	s0 =	sor.u32 s1, s0  }
0x33: {  	s0 =	sadd.s32 $0x8F2B, s0  }
0x34: {  	[sflag:s0] =	ssyncadd.remote.s32 $0x1  }
0x35: {  	_ =	sfence.sel $0xFFFF  }
0x36: {  	[dreg:$0x0] =	wrdreg $0xFFFFFFFF;
	(pc) =	sbr.abs _section_cstart, $3  }
0x37: {  	[dreg:$0x1] =	wrdreg $0xFFFFFFFF  }
0x38: {  	_ =	task.clear_ibuf [dreg:s6], $0x2FFFF;
	_ =	strace $0x9FFFFFFF  }
0x39: {  	(tm) =	ssettm $0x7FFFFFFF  }
tec
execute0_lowered:
.L_overlay_start_1:
0x0: {  	(tag) =	ssettag $0x1  }
0x1: {  	s0 =	srdreg.scid  }
0x2: {  	s4 =	rddreg [dreg:$0x0];
	s1 =	stileid.u32  }
0x3: {  	s5 =	simm.s32 $0x1;
	s7 =	simm.s32 $0x2;
	s0 =	sshll.u32 s0, $0x4  }
0x4: {  	s8 =	simm.s32 $0x0;
	s12 =	simm.s32 $0x0;
	s2 =	sand.u32 $0x10, s0  }
.Ltmp0:
0x5: {  	s10 =	simm.s32 $0x0;
	s3 =	sor.u32 s1, s2;
	(pc) =	sbr.rel .LBB1_1-.Ltmp0, $4  }
0x6: {  	s11 =	simm.s32 $0x0;
	s0 =	rddreg [dreg:$0x1];
	s3 =	sshll.u32 s3, $0x3  }
0x7: {  	_ =	strace $0x80000047;
	s2 =	sadd.s32 $0xC00, s4;
	s6 =	ssub.s32 $0x3D08, s3  }
0x8: {  	s4 =	sadd.s32 $0x1E9200, s4;
	[sflag:s5] =	ssyncpa.u1 $0x0;
	s6 =	sshrl.u32 s6, $0x8  }
0x9: {  	[sflag:s7] =	ssyncpa.u1 $0x0;
	s9 =	smov.u32 s3;
	s7 =	sor.u32 $0x2, s6  }
.LBB1_9:
0xa: {  	s14 =	sshll.u32 s10, $0x7  }
0xb: {  	s14 =	sadd.s32 s4, s14  }
0xc: {  	[hbm4b:s14+s8] =	stream.linear.scatter [tilespmem:s15], [sflag:$0x2], s13, $0x38;
	[tilespmem:$0x8000] =	vst v63  }
.LBB1_10:
0xd: {  	p0 =	slt.u32 s11, $0x2  }
0xe: {  	p1 =	sgt.s32 @!p0 s12, $0x3D01  }
0xf: {  	s13 =	smov.u32 s12;
	s14 =	sshra.s32 @!p0 s12, $0x1F;
	p1 =	por !p1, p0  }
0x10: {  	s12 =	sand.u32 @!p0 s14, s12;
	s13 =	simm.s32 @p1 $0x3D01  }
0x11: {  	s12 =	ssub.s32 @!p0 s13, s12  }
0x12: {  	s12 =	sadd.s32 @!p0 $0xFFFFC2FF, s12  }
0x13: {  	s13 =	sshll.u32 @!p0 s12, $0xC  }
0x14: {  	p1 =	sgt.s32 @!p0 s12, $0x7;
	s12 =	ssub.s32 @!p0 $0x8000, s13  }
0x15: {  	s14 =	sadd.s32 $0x100, s9;
	p1 =	por !p1, p0;
	s12 =	sshrl.u32 @!p0 s12, $0x2  }
0x16: {  	s12 =	simm.s32 @!p1 $0x0;
	p1 =	sgt.s32 s14, $0x3D08  }
0x17: {  	s14 =	smov.u32 @p1 s3;
	p1 =	sne.s32 s11, s7  }
.Ltmp1:
0x18: {  	_ = 	snop;
	(pc) =	sbr.rel @!p1 .LBB1_11-.Ltmp1, $4  }
0x19: {  	s13 =	simm.s32 @!p0 $0x2  }
0x1a: {  	_ =	swait.ge @!p0 [sflag:s13], s12;
	s15 =	ssub.s32 @!p0 $0x0, s12  }
0x1b: {  	s12 =	smov.u32 s10;
	s11 =	sadd.s32 $0x1, s11;
	[sflag:s13] =	ssyncset.done @!p0 $0x0  }
0x1c: {  	s10 =	smov.u32 s9;
	s9 =	smov.u32 s14;
	[sflag:s13] =	ssyncadd.s32 @!p0 s15  }
.LBB1_1:
0x1d: {  	p0 =	sgt.u32 s11, s6  }
0x1e: {  	p1 =	sgt.s32 @!p0 s9, $0x3D01  }
0x1f: {  	s13 =	smov.u32 s9;
	s14 =	sshra.s32 @!p0 s9, $0x1F;
	p1 =	por !p1, p0  }
0x20: {  	s14 =	sand.u32 @!p0 s14, s9;
	s13 =	simm.s32 @p1 $0x3D01  }
0x21: {  	s13 =	ssub.s32 @!p0 s13, s14  }
0x22: {  	s13 =	sadd.s32 @!p0 $0xFFFFC2FF, s13  }
0x23: {  	s15 =	sshll.u32 @!p0 s9, $0x7;
	s16 =	simm.s32 @!p0 $0x0;
	s14 =	sshll.u32 @!p0 s13, $0xC  }
0x24: {  	p1 =	sgt.s32 @!p0 s13, $0x7;
	s13 =	ssub.s32 @!p0 $0x8000, s14;
	s14 =	sxor.u32 @!p0 $0xFFFFFFFF, s11  }
0x25: {  	p1 =	por !p1, p0;
	s13 =	sshrl.u32 @!p0 s13, $0x2;
	s14 =	sshll.u32 @!p0 s14, $0xD  }
0x26: {  	s15 =	sadd.s32 @!p0 s2, s15;
	s13 =	simm.s32 @!p1 $0x0;
	s14 =	sand.u32 @!p0 $0x2000, s14  }
0x27: {  	[tilespmem:s14], [sflag:$0x1] =	stream.linear.gather @!p0 [hbm4b:s15+s16], s13, $0x38;
	[tilespmem:$0x8000] =	vst v63  }
0x28: {  	p0 =	seq.s32 s11, $0x0  }
0x29: {  	p1 =	sge.u32 @!p0 s11, s7  }
0x2a: {  	p0 =	por p0, p1  }
.Ltmp2:
0x2b: {  	_ = 	snop;
	(pc) =	sbr.rel @p0 .LBB1_10-.Ltmp2, $1  }
0x2c: {  	_ =	sdelay $0x3  }
0x2d: {  	p0 =	sgt.s32 s10, $0x3D01;
	s13 =	smov.u32 s10;
	s14 =	sshra.s32 s10, $0x1F  }
0x2e: {  	s13 =	simm.s32 @!p0 $0x3D01;
	s14 =	sand.u32 s14, s10  }
0x2f: {  	s13 =	ssub.s32 s13, s14  }
0x30: {  	s13 =	sadd.s32 $0xFFFFC2FF, s13  }
0x31: {  	s31 =	sshll.u32 s13, $0xC  }
0x32: {  	s14 =	ssub.s32 $0x8000, s31  }
0x33: {  	p0 =	sgt.s32 s13, $0x7;
	s13 =	sshrl.u32 s14, $0x2;
	s14 =	sadd.s32 $0x8, s10  }
0x34: {  	s13 =	simm.s32 @p0 $0x0;
	p0 =	slt.s32 s14, $0x3D09  }
0x35: {  	s14 =	simm.s32 @!p0 $0x3D09  }
0x36: {  	s14 =	ssub.s32 s14, s10  }
0x37: {  	p0 =	slt.s32 s14, $0x1  }
.Ltmp3:
0x38: {  	_ = 	snop;
	(pc) =	sbr.rel @p0 .LBB1_9-.Ltmp3, $4  }
0x39: {  	s16 =	sshll.u32 s11, $0xF  }
0x3a: {  	s16 =	sand.u32 $0x8000, s16;
	_ =	swait.ge [sflag:s5], s13  }
0x3b: {  	s16 =	sshrl.u32 s16, $0x2;
	s15 =	ssub.s32 $0x0, s13;
	[sflag:s5] =	ssyncset.done $0x0  }
0x3c: {  	[sflag:s5] =	ssyncadd.s32 s15;
	s15 =	sor.u32 $0x4000, s16  }
0x3d: {  	s17 =	simm.s32 $0x0  }
.LBB1_4:
0x3e: {  	s18 =	sshll.u32 s17, $0xC  }
0x3f: {  	s18 =	sshra.s32 s18, $0x2  }
0x40: {  	s19 =	sadd.s32 s18, s16  }
0x41: {  	s20 =	sadd.s32 $0x100, s19;
	v0 =	vmov s19  }
0x42: {  	s21 =	sadd.s32 $0x200, s19;
	v1 =	vmov s20  }
0x43: {  	s22 =	sadd.s32 $0x300, s19;
	v2 =	vmov s21  }
0x44: {  	p1 =	por $0x1, $0x1;
	s18 =	sadd.s32 s18, s15;
	v3 =	vmov s22;
	s20 =	simm.s32 $0x0  }
.LBB1_5:
0x45: {  	s19 =	sshll.u32 s20, $0x7  }
0x46: {  	s21 =	sand.u32 $0x3FFFFF80, s19  }
0x47: {  	p0 =	por p1, p1;
	s21 =	sadd.s32 s21, s18  }
0x48: {  	s22 =	sadd.s32 $0x80, s21;
	s23 =	sadd.s32 $0x100, s21;
	s24 =	sadd.s32 $0x180, s21;
	v4 =	vmov s21  }
0x49: {  	s20 =	sshll.u32 s20, $0x5;
	p1 =	por $0x1, $0x1;
	s21 =	simm.s32 $0x0;
	v5 =	vmov s22;
	v6 =	vmov s23;
	v7 =	vmov s24  }
.LBB1_6:
0x4a: {  	s22 =	sor.u32 s20, s21  }
0x4b: {  	v8 =	vld.idx.msk [tilespmem:v0+s22+$0x0 ss:$0x1], $0xffff  }
0x4c: {  	v9 =	vld.idx.msk [tilespmem:v1+s22+$0x0 ss:$0x1], $0xffff  }
0x4d: {  	v10 =	vld.idx.msk [tilespmem:v2+s22+$0x0 ss:$0x1], $0xffff;
	_ =	sdelay $0x1  }
0x4e: {  	v13 =	vld.idx.msk [tilespmem:v3+s22+$0x0 ss:$0x1], $0xffff  }
0x4f: {  	v24 =	vld.idx.msk [tilespmem:v0+s22+$0x10 ss:$0x1], $0xffff;
	v11 =	vshrl.u32 v8, $0x10;
	v12 =	vshrl.u32 v8, $0x8;
	v14 =	vshrl.u32 v8, $0x18  }
0x50: {  	v38 =	vld.idx.msk [tilespmem:v1+s22+$0x10 ss:$0x1], $0xffff;
	v8 =	vand.u32 $0xFF, v8;
	v15 =	vshrl.u32 v9, $0x10;
	v16 =	vshrl.u32 v9, $0x8  }
0x51: {  	v43 =	vld.idx.msk [tilespmem:v2+s22+$0x10 ss:$0x1], $0xffff;
	v17 =	vshrl.u32 v9, $0x18;
	v9 =	vand.u32 $0xFF, v9;
	v18 =	vshrl.u32 v10, $0x10  }
0x52: {  	v46 =	vld.idx.msk [tilespmem:v3+s22+$0x10 ss:$0x1], $0xffff;
	v19 =	vshrl.u32 v10, $0x8;
	v20 =	vshrl.u32 v10, $0x18;
	v10 =	vand.u32 $0xFF, v10  }
0x53: {  	v21 =	vshrl.u32 v13, $0x18;
	v22 =	vshrl.u32 v13, $0x10;
	v23 =	vshrl.u32 v13, $0x8  }
0x54: {  	v13 =	vand.u32 $0xFF, v13;
	v44 =	vshrl.u32 v24, $0x10;
	v45 =	vshrl.u32 v24, $0x8  }
0x55: {  	v47 =	vshrl.u32 v24, $0x18;
	v48 =	vand.u32 $0xFF, v24;
	v49 =	vshrl.u32 v38, $0x10  }
0x56: {  	v50 =	vshrl.u32 v38, $0x8;
	v51 =	vshrl.u32 v38, $0x18;
	v52 =	vshrl.u32 v43, $0x10  }
0x57: {  	v53 =	vshrl.u32 v43, $0x8;
	v54 =	vshrl.u32 v43, $0x18;
	v25 =	vshrl.u32 v46, $0x10  }
0x58: {  	v26 =	vand.u32 $0xFF, v46;
	v55 =	vshrl.u32 v46, $0x8;
	v11 =	vand.u32 $0xFF, v11  }
0x59: {  	v12 =	vand.u32 $0xFF, v12;
	v15 =	vand.u32 $0xFF, v15;
	v16 =	vand.u32 $0xFF, v16  }
0x5a: {  	v18 =	vand.u32 $0xFF, v18;
	v19 =	vand.u32 $0xFF, v19;
	v22 =	vand.u32 $0xFF, v22  }
0x5b: {  	v23 =	vand.u32 $0xFF, v23;
	v8 =	vpack.i.b32.b16 v10, v8;
	v9 =	vpack.i.b32.b16 v13, v9  }
0x5c: {  	s23 =	sshll.u32 s21, $0x2;
	v41 =	vpack.i.b32.b16 v20, v14;
	v42 =	vpack.i.b32.b16 v21, v17;
	v13 =	vand.u32 $0xFF, v44  }
0x5d: {  	s21 =	sor.u32 $0x80, s23;
	v20 =	vand.u32 $0xFF, v50;
	v14 =	vand.u32 $0xFF, v43;
	v25 =	vand.u32 $0xFF, v25  }
0x5e: {  	s31 =	sor.u32 s19, s21;
	v62 =	vpack.i.b32.b16 v54, v47;
	v8 =	vpack.i.b16.b8 v9, v8;
	v36 =	vpack.i.b32.b16 v19, v12  }
0x5f: {  	s22 =	sshra.s32 s31, $0x2;
	v37 =	vpack.i.b32.b16 v23, v16;
	v39 =	vpack.i.b32.b16 v18, v11;
	v40 =	vpack.i.b32.b16 v22, v15  }
0x60: {  	v56 =	vld.idx.msk [tilespmem:v0+s22+$0x0 ss:$0x1], $0xffff;
	v11 =	vpack.i.b16.b8 v42, v41;
	v15 =	vand.u32 $0xFF, v45;
	v19 =	vand.u32 $0xFF, v49  }
0x61: {  	v59 =	vld.idx.msk [tilespmem:v1+s22+$0x0 ss:$0x1], $0xffff;
	v12 =	vand.u32 $0xFF, v38;
	v22 =	vand.u32 $0xFF, v52;
	v23 =	vand.u32 $0xFF, v53  }
0x62: {  	v61 =	vld.idx.msk [tilespmem:v2+s22+$0x0 ss:$0x1], $0xffff;
	v14 =	vpack.i.b32.b16 v14, v48;
	v16 =	vshrl.u32 v46, $0x18;
	v18 =	vand.u32 $0xFF, v55  }
0x63: {  	v63 =	vld.idx.msk [tilespmem:v3+s22+$0x0 ss:$0x1], $0xffff;
	v9 =	vpack.i.b16.b8 v37, v36;
	v10 =	vpack.i.b16.b8 v40, v39;
	v12 =	vpack.i.b32.b16 v26, v12  }
0x64: {  	v57 =	vpack.i.b32.b16 v23, v15;
	v58 =	vpack.i.b32.b16 v18, v20;
	v13 =	vpack.i.b32.b16 v22, v13  }
0x65: {  	v60 =	vpack.i.b32.b16 v25, v19;
	v16 =	vpack.i.b32.b16 v16, v51;
	v25 =	vshrl.u32 v56, $0x10  }
0x66: {  	v27 =	vshrl.u32 v56, $0x8;
	v28 =	vshrl.u32 v56, $0x18;
	v29 =	vand.u32 $0xFF, v56  }
0x67: {  	v30 =	vshrl.u32 v59, $0x18;
	v31 =	vshrl.u32 v59, $0x10;
	v32 =	vshrl.u32 v59, $0x8  }
0x68: {  	s23 =	sshra.s32 s23, $0x2;
	v33 =	vand.u32 $0xFF, v61;
	v18 =	vand.u32 $0xFF, v59;
	v34 =	vand.u32 $0xFF, v63  }
0x69: {  	v35 =	vshrl.u32 v61, $0x10;
	[tilespmem:v4+s23+$0x0 ss:$0x1] =	vst.idx.msk $0xffff, v8;
	v8 =	vshrl.u32 v61, $0x18;
	v19 =	vshrl.u32 v61, $0x8  }
0x6a: {  	v37 =	vshrl.u32 v63, $0x8;
	v39 =	vshrl.u32 v63, $0x10;
	v40 =	vshrl.u32 v63, $0x18  }
0x6b: {  	v12 =	vpack.i.b16.b8 v12, v14;
	v14 =	vpack.i.b16.b8 v58, v57;
	v13 =	vpack.i.b16.b8 v60, v13  }
0x6c: {  	v15 =	vpack.i.b16.b8 v16, v62;
	v16 =	vand.u32 $0xFF, v25;
	v20 =	vand.u32 $0xFF, v27  }
0x6d: {  	[tilespmem:v7+s23+$0x0 ss:$0x1] =	vst.idx.msk $0xffff, v11;
	v24 =	vand.u32 $0xFF, v31;
	v22 =	vpack.i.b32.b16 v33, v29;
	v25 =	vand.u32 $0xFF, v32  }
0x6e: {  	v43 =	vld.idx.msk [tilespmem:v2+s22+$0x10 ss:$0x1], $0xffff;
	v18 =	vpack.i.b32.b16 v34, v18;
	v26 =	vand.u32 $0xFF, v35;
	[tilespmem:v5+s23+$0x0 ss:$0x1] =	vst.idx.msk $0xffff, v9;
	v36 =	vand.u32 $0xFF, v19  }
0x6f: {  	v38 =	vld.idx.msk [tilespmem:v0+s22+$0x10 ss:$0x1], $0xffff;
	[tilespmem:v6+s23+$0x0 ss:$0x1] =	vst.idx.msk $0xffff, v10;
	v19 =	vand.u32 $0xFF, v37;
	v10 =	vand.u32 $0xFF, v39;
	v8 =	vpack.i.b32.b16 v8, v28  }
0x70: {  	v42 =	vld.idx.msk [tilespmem:v1+s22+$0x10 ss:$0x1], $0xffff;
	v11 =	vpack.i.b32.b16 v40, v30;
	v18 =	vpack.i.b16.b8 v18, v22;
	v9 =	vpack.i.b32.b16 v36, v20  }
0x71: {  	v41 =	vpack.i.b32.b16 v19, v25;
	v16 =	vpack.i.b32.b16 v26, v16;
	v10 =	vpack.i.b32.b16 v10, v24  }
0x72: {  	v46 =	vld.idx.msk [tilespmem:v3+s22+$0x10 ss:$0x1], $0xffff;
	v8 =	vpack.i.b16.b8 v11, v8;
	v9 =	vpack.i.b16.b8 v41, v9;
	v10 =	vpack.i.b16.b8 v10, v16  }
0x73: {  	v53 =	vshrl.u32 v43, $0x18;
	v54 =	vshrl.u32 v43, $0x8;
	v55 =	vshrl.u32 v43, $0x10  }
0x74: {  	[tilespmem:v4+s23+$0x10 ss:$0x1] =	vst.idx.msk $0xffff, v12;
	v16 =	vand.u32 $0xFF, v43;
	v44 =	vshrl.u32 v38, $0x10;
	v45 =	vshrl.u32 v38, $0x8  }
0x75: {  	[tilespmem:v5+s23+$0x10 ss:$0x1] =	vst.idx.msk $0xffff, v14;
	v47 =	vshrl.u32 v38, $0x18;
	v48 =	vand.u32 $0xFF, v38;
	v49 =	vshrl.u32 v42, $0x10  }
0x76: {  	[tilespmem:v6+s23+$0x10 ss:$0x1] =	vst.idx.msk $0xffff, v13;
	v50 =	vshrl.u32 v42, $0x8;
	v51 =	vshrl.u32 v42, $0x18;
	v52 =	vand.u32 $0xFF, v42  }
0x77: {  	s21 =	sshrl.u32 s21, $0x2;
	[tilespmem:v7+s23+$0x10 ss:$0x1] =	vst.idx.msk $0xffff, v15;
	v22 =	vand.u32 $0xFF, v54;
	v56 =	vshrl.u32 v46, $0x10;
	v57 =	vshrl.u32 v46, $0x8  }
0x78: {  	[tilespmem:v5+s21+$0x0 ss:$0x1] =	vst.idx.msk $0xffff, v9;
	v58 =	vand.u32 $0xFF, v46;
	v9 =	vand.u32 $0xFF, v55;
	v11 =	vand.u32 $0xFF, v44  }
0x79: {  	[tilespmem:v4+s21+$0x0 ss:$0x1] =	vst.idx.msk $0xffff, v18;
	v12 =	vand.u32 $0xFF, v45;
	v20 =	vand.u32 $0xFF, v49;
	v21 =	vand.u32 $0xFF, v50  }
0x7a: {  	[tilespmem:v7+s21+$0x0 ss:$0x1] =	vst.idx.msk $0xffff, v8;
	v8 =	vand.u32 $0xFF, v57;
	v13 =	vpack.i.b32.b16 v16, v48;
	v59 =	vpack.i.b32.b16 v58, v52  }
0x7b: {  	p2 =	por p1, p1;
	[tilespmem:v6+s21+$0x0 ss:$0x1] =	vst.idx.msk $0xffff, v10;
	v10 =	vand.u32 $0xFF, v56;
	v12 =	vpack.i.b32.b16 v22, v12;
	v8 =	vpack.i.b32.b16 v8, v21  }
.Ltmp4:
0x7c: {  	v62 =	vpack.i.b32.b16 v53, v47;
	v13 =	vpack.i.b16.b8 v59, v13;
	v8 =	vpack.i.b16.b8 v8, v12;
	(pc) =	sbr.rel @p2 .LBB1_6-.Ltmp4, $4  }
0x7d: {  	v60 =	vshrl.u32 v46, $0x18;
	v61 =	vpack.i.b32.b16 v10, v20;
	[tilespmem:v5+s21+$0x10 ss:$0x1] =	vst.idx.msk $0xffff, v8;
	v8 =	vpack.i.b32.b16 v9, v11  }
0x7e: {  	v63 =	vpack.i.b32.b16 v60, v51;
	[tilespmem:v4+s21+$0x10 ss:$0x1] =	vst.idx.msk $0xffff, v13;
	v8 =	vpack.i.b16.b8 v61, v8  }
0x7f: {  	[tilespmem:v6+s21+$0x10 ss:$0x1] =	vst.idx.msk $0xffff, v8;
	v8 =	vpack.i.b16.b8 v63, v62  }
0x80: {  	p1 =	por $0x0, $0x0;
	[tilespmem:v7+s21+$0x10 ss:$0x1] =	vst.idx.msk $0xffff, v8;
	s21 =	simm.s32 $0x40  }
.Ltmp5:
0x81: {  	(pc) =	sbr.rel @p0 .LBB1_5-.Ltmp5, $2  }
0x82: {  	_ =	sdelay $0x2  }
0x83: {  	s20 =	simm.s32 $0x4;
	p1 =	por $0x0, $0x0  }
0x84: {  	s17 =	sadd.s32 $0x1, s17  }
0x85: {  	p0 =	sne.s32 s17, s14  }
.Ltmp6:
0x86: {  	_ = 	snop;
	(pc) =	sbr.rel @p0 .LBB1_4-.Ltmp6, $4  }
.Ltmp7:
0x87: {  	_ = 	snop;
	(pc) =	sbr.rel @!p0 .LBB1_9-.Ltmp7, $4  }
0x88: {  	_ = 	snop  }
0x89: {  	_ = 	snop  }
0x8a: {  	_ = 	snop  }
0x8b: {  	_ = 	snop  }
.LBB1_11:
0x8c: {  	_ =	sfence.sel $0x180000  }
0x8d: {  	s2 =	simm.s32 $0x1;
	[bflag:$0x0] =	sbarrier.arrive $0xFFFF  }
0x8e: {  	s31 =	simm.s32 $0x2;
	[sflag:s2] =	ssyncpa.u1 $0x1  }
0x8f: {  	[sflag:s31] =	ssyncpa.u1 $0x1  }
0x90: {  	p0 =	sne.s32 s1, $0x0;
	_ =	strace $0x90000047  }
0x91: {  	s0 =	sadd.s32 @!p0 $0x100000, s0;
	[bflag:$0x2] =	sbarrier.arrive $0xFFFF  }
0x92: {  	[sflag:s0] =	ssyncadd.tile.s32 @!p0 $0x1;
	_ =	shalt  }
.Lfunc_end1:
_tile_overlayer_lowered:
.L_overlay_start_2:
0x93: {  	(tag) =	ssettag $0x2  }
0x94: {  	s0 =	rddreg [dreg:$0x0];
	s2 =	stileid.u32  }
0x95: {  	s1 =	rddreg [dreg:$0x1];
	p0 =	sne.s32 s2, $0x0  }
0x96: {  	s3 =	rddreg [dreg:$0x2];
	[bflag:$0x3] =	sbarrier.arrive $0xFFFF;
	s2 =	simm.s32 @!p0 $0x1C01  }
0x97: {  	[timem:s3], [sflag:s2] =	dma.local @!p0 [hbm:s0], s1  }
0x98: {  	s0 =	simm.s32 @!p0 $0x1  }
0x99: {  	_ =	swait.ge @!p0 [sflag:s0], s1  }
0x9a: {  	s1 =	ssub.s32 @!p0 $0x0, s1;
	[sflag:s0] =	ssyncset.done @!p0 $0x0  }
0x9b: {  	[sflag:s0] =	ssyncadd.s32 @!p0 s1  }
0x9c: {  	[bflag:$0x3] =	sbarrier.arrive $0xFFFF  }
0x9d: {  	_ =	shalt  }

// kernel: sparse-core-data-format-call.cloned.1.call-start
scs
called_computation_lowered:
.L_overlay_start_0:
0x0: {  	s2 =	sld [smem:$0x3FD9]  }
0x1: {  	s3 =	sld [smem:$0x3FFE];
	_ =	sdelay $0x1  }
0x2: {  	s1 =	srdreg.scid  }
0x3: {  	s0 =	sand.u32 $0x1, s1  }
0x4: {  	s18 =	sshll.u32 s0, $0xA;
	s2 =	sadd.s32 s3, s2  }
0x5: {  	s2 =	sadd.s32 s2, s18  }
0x6: {  	[smem:$0x3FC4] =	sst s2  }
0x7: {  	_ = 	snop  }
0x8: {  	s2 =	sld [smem:$0x3FD0];
	(tm) =	ssettm $0x1  }
0x9: {  	s19 =	sld [smem:$0x3FFB];
	_ =	sdelay $0x3  }
0xa: {  	_ =	strace s19  }
0xb: {  	s3 =	sld [smem:$0x3FFC];
	_ =	sdelay $0x3  }
0xc: {  	_ =	strace s3  }
0xd: {  	s3 =	sld [smem:$0x3FFD];
	_ =	sdelay $0x3  }
0xe: {  	_ =	strace s3  }
0xf: {  	_ =	strace $0x8FFFFFFF  }
0x10: {  	s20 =	sld [smem:$0x3FDB];
	_ =	sdelay $0x1  }
0x11: {  	s4 =	simm.s32 $_scs_section_size  }
0x12: {  	s5 =	simm.s32 $_size__tile_overlayer_lowered;
	s6 =	simm.s32 $_tile_overlayer_lowered  }
0x13: {  	s23 =	simm.s32 $0x1BFF;
	s22 =	sshll.u32 s6, $0x1;
	s3 =	sadd.s32 s4, s20  }
0x14: {  	s7 =	simm.s32 $0x0;
	s21 =	sshll.u32 s5, $0x1;
	s5 =	sadd.s32 s22, s3  }
0x15: {  	[timem:s7], [sflag:s23] =	dma.local [hbm:s5], s21  }
0x16: {  	_ =	swait.ge [sflag:s23], s21  }
0x17: {  	s4 =	ssub.s32 $0x0, s21;
	[sflag:s23] =	ssyncset.done $0x0  }
0x18: {  	[sflag:s23] =	ssyncadd.s32 s4;
	_ =	sdelay $0x1  }
0x19: {  	s24 =	simm.s32 $0x1B8B  }
0x1a: {  	_ =	swait.ge [sflag:s24], $0x1  }
0x1b: {  	[sflag:s24] =	ssyncset.done $0x0  }
0x1c: {  	s26 =	simm.s32 $0x1B8E;
	s25 =	sld [smem:$0x3FFE];
	[sflag:s24] =	ssyncadd.s32 $0xFFFFFFFF  }
0x1d: {  	s27 =	simm.s32 $execute0_lowered;
	[smem:$0x3FD2] =	sst s26  }
0x1e: {  	s5 =	sshll.u32 s27, $0x1;
	_ =	strace $0x8000004F;
	[dreg:$0x1] =	wrdreg $0xFFFFFFFF  }
0x1f: {  	s28 =	simm.s32 $_size_execute0_lowered;
	s3 =	sadd.s32 s3, s5;
	[dreg:$0x0] =	wrdreg $0x0  }
0x20: {  	s5 =	sshll.u32 s28, $0x1;
	[dreg:$0x2] =	wrdreg s3  }
0x21: {  	[dreg:$0x3] =	wrdreg s5  }
0x22: {  	[dreg:$0x4] =	wrdreg $0xC0  }
0x23: {  	_ =	task [dreg:s7], $0x5FFFF  }
0x24: {  	[dreg:$0x1] =	wrdreg $0xFFFFFFFF  }
0x25: {  	[dreg:$0x0] =	wrdreg $0x60  }
0x26: {  	[dreg:$0x2] =	wrdreg s25  }
0x27: {  	[dreg:$0x3] =	wrdreg s2  }
0x28: {  	[dreg:$0x4] =	wrdreg $0x9  }
0x29: {  	_ =	task.clear_ibuf [dreg:s7], $0x5FFFF;
	_ =	strace $0x9000004F  }
0x2a: {  	s29 =	simm.s32 $0x9;
	_ =	strace $0x80000051  }
0x2b: {  	_ =	swait.ge [sflag:s29], $0x1  }
0x2c: {  	[sflag:s29] =	ssyncadd.s32 $0xFFFFFFFF  }
0x2d: {  	_ =	strace $0x90000051  }
0x2e: {  	_ =	sfence  }
0x2f: {  	s30 =	sld [smem:$0x0];
	_ =	sdelay $0x2  }
0x30: {  	s31 =	sshll.u32 s1, $0xD;
	s1 =	sshrl.u32 s1, $0x2  }
0x31: {  	s3 =	sand.u32 $0x4000, s31;
	s1 =	sadd.s32 s1, s30  }
0x32: {  	s0 =	sor.u32 s3, s0;
	s1 =	sshll.u32 s1, $0x11  }
0x33: {  	s0 =	sor.u32 s1, s0  }
0x34: {  	s0 =	sadd.s32 $0x8F2B, s0  }
0x35: {  	[sflag:s0] =	ssyncadd.remote.s32 $0x1  }
0x36: {  	_ =	sfence.sel $0xFFFF  }
0x37: {  	[dreg:$0x0] =	wrdreg $0xFFFFFFFF;
	(pc) =	sbr.abs _section_cstart, $3  }
0x38: {  	[dreg:$0x1] =	wrdreg $0xFFFFFFFF  }
0x39: {  	_ =	task.clear_ibuf [dreg:s7], $0x2FFFF;
	_ =	strace $0x9FFFFFFF  }
0x3a: {  	(tm) =	ssettm $0x7FFFFFFF  }
0x3b: {  	_ =	shalt  }
tec
execute0_lowered:
.L_overlay_start_1:
0x0: {  	(tag) =	ssettag $0x1  }
0x1: {  	s0 =	srdreg.scid  }
0x2: {  	s1 =	sshll.u32 s0, $0x4  }
0x3: {  	s0 =	stileid.u32;
	s1 =	sand.u32 $0x10, s1  }
0x4: {  	s1 =	sor.u32 s0, s1  }
0x5: {  	s6 =	rddreg [dreg:$0x0];
	s4 =	simm.s32 $0x1;
	s2 =	sshll.u32 s1, $0x7  }
0x6: {  	s7 =	simm.s32 $0x2;
	s13 =	simm.s32 $0x0;
	s1 =	ssub.s32 $0x4000, s2  }
0x7: {  	s8 =	simm.s32 $0x10000;
	s12 =	simm.s32 $0x0;
	s3 =	sand.u32 $0xF80, s1  }
0x8: {  	s9 =	simm.s32 $0x0;
	s5 =	sshrl.u32 s1, $0xC;
	p0 =	sne.s32 s3, $0x0  }
.Ltmp0:
0x9: {  	s1 =	rddreg [dreg:$0x2];
	s4 =	simm.s32 @!p0 $0x0;
	(pc) =	sbr.rel .LBB1_1-.Ltmp0, $4  }
0xa: {  	s11 =	simm.s32 $0x0;
	s3 =	rddreg [dreg:$0x1];
	s5 =	sadd.s32 s4, s5  }
0xb: {  	_ =	strace $0x80000050;
	s4 =	simm.s32 $0x1;
	s5 =	smul.u32 $0xA, s5  }
0xc: {  	s6 =	sadd.s32 $0x140C00, s6;
	s10 =	smov.u32 s2;
	[sflag:s4] =	ssyncpa.u1 $0x0  }
0xd: {  	p0 =	por $0x0, $0x0;
	[sflag:s7] =	ssyncpa.u1 $0x0;
	s7 =	sor.u32 $0x1, s5  }
.LBB1_4:
0xe: {  	v1 =	vperm.xlane.i2c.b16 v1;
	v0 =	vperm.xlane.i2c.b16 v0  }
0xf: {  	v2 =	vperm.xlane.i2c.b16 v2;
	v3 =	vperm.xlane.i2c.b16 v3  }
0x10: {  	[tilespmem:s16+$0x0 ss:$0x81] =	vst.msk $0xffff, v5;
	s17 =	sshra.s32 s17, $0x2;
	s18 =	sshll.u32 s12, $0x3;
	s19 =	sshll.u32 s12, $0x1;
	v62 =	vcombine.low v0, v1  }
0x11: {  	s13 =	sshll.u32 s13, $0x10;
	s30 =	sshrl.u32 s12, $0x1;
	[tilespmem:s16+$0x1020 ss:$0x81] =	vst.msk $0xffff, v4;
	s15 =	sadd.s32 s17, s15;
	v63 =	vcombine.low v3, v2  }
0x12: {  	s31 =	sand.u32 $0x7, s12;
	s28 =	sand.u32 $0xF0, s19;
	s29 =	sand.u32 $0x3C00, s18;
	v0 =	vcombine.high v0, v1;
	[tilespmem:s15+$0x810 ss:$0x81] =	vst.msk $0xffff, v62  }
0x13: {  	s17 =	sand.u32 $0xFC00, s30;
	s13 =	sadd.s32 s3, s13;
	s16 =	sor.u32 s28, s29;
	v2 =	vcombine.high v3, v2;
	[tilespmem:s15+$0x0 ss:$0x81] =	vst.msk $0xffff, v63  }
0x14: {  	s12 =	sshll.u32 s31, $0x12;
	s13 =	sadd.s32 s17, s13;
	s16 =	sshrl.u32 s16, $0x4;
	[tilespmem:s15+$0x1830 ss:$0x81] =	vst.msk $0xffff, v0  }
0x15: {  	s12 =	sor.u32 $0x200, s12;
	s13 =	sadd.s32 s16, s13;
	[tilespmem:s15+$0x1020 ss:$0x81] =	vst.msk $0xffff, v2  }
0x16: {  	[hbm4b:s13+s12] =	stream.strided.scatter [tilespmem:s14], [sflag:$0x2], $0x2000, s8, s12, $0x20;
	[tilespmem:$0x8080] =	vst v63  }
.LBB1_5:
0x17: {  	s14 =	sadd.s32 $0x2, s9  }
0x18: {  	s12 =	sadd.s32 $0x1000, s10;
	s16 =	smov.u32 s10;
	p2 =	sgt.s32 s14, $0x13  }
0x19: {  	s16 =	smov.u32 @p2 s12  }
0x1a: {  	s14 =	simm.s32 @p2 $0x0;
	p2 =	sgt.s32 s16, $0x3FFF  }
0x1b: {  	s16 =	smov.u32 @p2 s2;
	p2 =	sne.s32 s11, s7  }
.Ltmp1:
0x1c: {  	p1 =	slt.u32 s11, $0x2;
	(pc) =	sbr.rel @!p2 .LBB1_6-.Ltmp1, $4  }
0x1d: {  	s15 =	simm.s32 @!p1 $0x2  }
0x1e: {  	s13 =	smov.u32 s9;
	p0 =	por !p0, !p0;
	_ =	swait.ge @!p1 [sflag:s15], $0x2000  }
0x1f: {  	s12 =	smov.u32 s10;
	[sflag:s15] =	ssyncset.done @!p1 $0x0;
	s9 =	smov.u32 s14  }
0x20: {  	s11 =	sadd.s32 $0x1, s11;
	[sflag:s15] =	ssyncadd.s32 @!p1 $0xFFFFE000;
	s10 =	smov.u32 s16  }
.LBB1_1:
0x21: {  	p1 =	sge.u32 s11, s5  }
0x22: {  	s14 =	sand.u32 @!p1 $0x1FFFFFE, s9  }
0x23: {  	s15 =	smulhi.u32 @!p1 $0xAAAAAAB, s14;
	_ =	sdelay $0x1  }
0x24: {  	s15 =	smul.u32 @!p1 $0x18, s15  }
0x25: {  	s31 =	sadd.s32 $0xFFFFFFFF, s11;
	s16 =	smul.u32 @!p1 $0xC0, s10  }
0x26: {  	s17 =	simm.s32 @!p1 $0x600;
	s14 =	ssub.s32 @!p1 s14, s15;
	s15 =	sxor.u32 @!p1 $0xFFFFFFFF, s11  }
0x27: {  	s16 =	sadd.s32 @!p1 s6, s16;
	s14 =	sshll.u32 @!p1 s14, $0x3;
	s15 =	sshll.u32 @!p1 s15, $0xD  }
0x28: {  	s14 =	sadd.s32 @!p1 s14, s16;
	s15 =	sand.u32 @!p1 $0x2000, s15;
	s16 =	simm.s32 @!p1 $0x40  }
0x29: {  	[tilespmem:s15], [sflag:$0x1] =	stream.strided.gather @!p1 [hbm4b:s14+s16], $0x2000, s17, s16, $0x38;
	[tilespmem:$0x8080] =	vst v63  }
0x2a: {  	p1 =	sge.u32 s31, s5  }
.Ltmp2:
0x2b: {  	_ = 	snop;
	(pc) =	sbr.rel @p1 .LBB1_5-.Ltmp2, $1  }
0x2c: {  	_ =	sdelay $0x3  }
0x2d: {  	s14 =	simm.s32 $0x1  }
0x2e: {  	_ =	swait.ge [sflag:s4], $0x2000;
	s14 =	simm.s32 @!p0 $0x0  }
0x2f: {  	[sflag:s4] =	ssyncset.done $0x0;
	s15 =	sshll.u32 s14, $0xD  }
0x30: {  	[sflag:s4] =	ssyncadd.s32 $0xFFFFE000;
	s15 =	sor.u32 $0x20, s15  }
0x31: {  	v0 =	vld [tilespmem:s15+$0x0]  }
0x32: {  	v1 =	vld [tilespmem:s15+$0x10]  }
0x33: {  	v2 =	vld [tilespmem:s15+$0xFFFFFFF0]  }
0x34: {  	v3 =	vld [tilespmem:s15+$0xFFFFFFE0];
	_ =	sdelay $0x1  }
0x35: {  	s14 =	smul.u32 $0x8100, s14;
	s19 =	sadd.s32 $0x40, s15  }
0x36: {  	s16 =	sand.u32 $0x1, s11;
	v4 =	vperm.xlane.i2c.b16 v1;
	v5 =	vperm.xlane.i2c.b16 v0;
	v0 =	vld [tilespmem:s19+$0x0]  }
0x37: {  	s16 =	smul.u32 $0x8100, s16;
	s14 =	sshrl.u32 s14, $0x2;
	v6 =	vperm.xlane.i2c.b16 v2;
	v1 =	vld [tilespmem:s19+$0x10]  }
0x38: {  	s15 =	sor.u32 $0x4000, s14;
	v8 =	vperm.xlane.i2c.b16 v3;
	v2 =	vld [tilespmem:s19+$0xFFFFFFF0];
	v7 =	vcombine.low v5, v4  }
0x39: {  	s31 =	sshrl.u32 s16, $0x2;
	s16 =	sadd.s32 $0x0, s15;
	v3 =	vld [tilespmem:s19+$0xFFFFFFE0];
	v9 =	vcombine.high v5, v4  }
0x3a: {  	s17 =	simm.s32 $0x4;
	v5 =	vcombine.low v8, v6;
	[tilespmem:s16+$0x810 ss:$0x81] =	vst.msk $0xffff, v7  }
0x3b: {  	s18 =	simm.s32 $0x8;
	s14 =	sor.u32 $0x4000, s31;
	s19 =	sadd.s32 $0x40, s19;
	v4 =	vcombine.high v8, v6;
	[tilespmem:s16+$0x1830 ss:$0x81] =	vst.msk $0xffff, v9  }
.LBB1_3:
0x3c: {  	v6 =	vperm.xlane.i2c.b16 v1;
	v7 =	vperm.xlane.i2c.b16 v0;
	v0 =	vld [tilespmem:s19+$0x0];
	[tilespmem:s16+$0x0 ss:$0x81] =	vst.msk $0xffff, v5;
	s20 =	smov.u32 s18;
	p1 =	sne.s32 s18, $0x1FC  }
.Ltmp3:
0x3d: {  	v8 =	vperm.xlane.i2c.b16 v2;
	v1 =	vld [tilespmem:s19+$0x10];
	[tilespmem:s16+$0x1020 ss:$0x81] =	vst.msk $0xffff, v4;
	(pc) =	sbr.rel @p1 .LBB1_3-.Ltmp3, $4  }
0x3e: {  	s18 =	sadd.s32 $0x4, s18;
	v4 =	vperm.xlane.i2c.b16 v3;
	s16 =	sshra.s32 s17, $0x2;
	v2 =	vld [tilespmem:s19+$0xFFFFFFF0];
	v9 =	vcombine.low v7, v6  }
0x3f: {  	s17 =	smov.u32 s20;
	s16 =	sadd.s32 s16, s15;
	v6 =	vcombine.high v7, v6;
	v3 =	vld [tilespmem:s19+$0xFFFFFFE0]  }
0x40: {  	v5 =	vcombine.low v4, v8;
	v4 =	vcombine.high v4, v8;
	[tilespmem:s16+$0x810 ss:$0x81] =	vst.msk $0xffff, v9  }
0x41: {  	s19 =	sadd.s32 $0x40, s19;
	[tilespmem:s16+$0x1830 ss:$0x81] =	vst.msk $0xffff, v6  }
.Ltmp4:
0x42: {  	_ = 	snop;
	(pc) =	sbr.rel .LBB1_4-.Ltmp4, $1  }
0x43: {  	_ =	sdelay $0x3  }
.LBB1_6:
0x44: {  	_ =	sfence.sel $0x180000  }
0x45: {  	s2 =	simm.s32 $0x1;
	[bflag:$0x0] =	sbarrier.arrive $0xFFFF  }
0x46: {  	s31 =	simm.s32 $0x2;
	[sflag:s2] =	ssyncpa.u1 $0x1  }
0x47: {  	[sflag:s31] =	ssyncpa.u1 $0x1  }
0x48: {  	p0 =	sne.s32 s0, $0x0;
	_ =	strace $0x90000050  }
0x49: {  	s0 =	sadd.s32 @!p0 $0x100000, s1;
	[bflag:$0x2] =	sbarrier.arrive $0xFFFF  }
0x4a: {  	[sflag:s0] =	ssyncadd.tile.s32 @!p0 $0x1;
	_ =	shalt  }
.Lfunc_end1:
_tile_overlayer_lowered:
.L_overlay_start_2:
0x4b: {  	(tag) =	ssettag $0x2  }
0x4c: {  	s0 =	rddreg [dreg:$0x0];
	s2 =	stileid.u32  }
0x4d: {  	s1 =	rddreg [dreg:$0x1];
	p0 =	sne.s32 s2, $0x0  }
0x4e: {  	s3 =	rddreg [dreg:$0x2];
	[bflag:$0x3] =	sbarrier.arrive $0xFFFF;
	s2 =	simm.s32 @!p0 $0x1C01  }
0x4f: {  	[timem:s3], [sflag:s2] =	dma.local @!p0 [hbm:s0], s1  }
0x50: {  	s0 =	simm.s32 @!p0 $0x1  }
0x51: {  	_ =	swait.ge @!p0 [sflag:s0], s1  }
0x52: {  	s1 =	ssub.s32 @!p0 $0x0, s1;
	[sflag:s0] =	ssyncset.done @!p0 $0x0  }
0x53: {  	[sflag:s0] =	ssyncadd.s32 @!p0 s1  }
0x54: {  	[bflag:$0x3] =	sbarrier.arrive $0xFFFF  }
0x55: {  	_ =	shalt  }

</sc_bundles>
